<compile_context>
chip_gen: v7x
topology: tpu7x:2x2x1
jax: 0.10.2.dev20260603
libtpu: 0.0.44.dev20260713+nightly
codegen_flags: <defaults>
</compile_context>

<pallas_src>
import math

import jax
import jax.numpy as jnp
from jax import lax
from jax.experimental import pallas as pl
from jax.experimental.pallas import tpu as pltpu
from jax.experimental.pallas import tpu_sc as plsc

D = 128
L = 16
SCALE = math.sqrt(float(D))


def _make_sc_kernel(B, NC, NS):
    NW = NC * NS
    b_per_w = B // NW
    CH = 128
    NCH = b_per_w // CH
    mesh = plsc.VectorSubcoreMesh(core_axis_name="c", subcore_axis_name="s")

    def body(x_hbm, step_hbm, pe_hbm, out_hbm, idx_v,
             xv0, xv1, pv0, pv1, ov0, ov1, ls0, ls1, ws0, ws1):
        wid = lax.axis_index("s") * NC + lax.axis_index("c")
        base = wid * b_per_w
        xv, pv, ov = (xv0, xv1), (pv0, pv1), (ov0, ov1)
        ls, ws = (ls0, ls1), (ws0, ws1)

        x0 = pltpu.async_copy(x_hbm.at[pl.ds(base, CH), :], xv[0], ls[0])
        x1 = pltpu.async_copy(x_hbm.at[pl.ds(base + CH, CH), :], xv[1], ls[1])
        pltpu.sync_copy(step_hbm.at[wid], idx_v)

        def issue(c):
            b = c & 1
            g = pltpu.async_copy(pe_hbm.at[idx_v.at[c]], pv[b], ls[b])
            xc = (pltpu.async_copy(x_hbm.at[pl.ds(base + c * CH, CH), :],
                                   xv[b], ls[b])
                  if c >= 2 else (x0 if c == 0 else x1))
            return (g, xc)

        pending = issue(0)
        wb = [None, None]
        for c in range(NCH):
            b = c & 1
            nxt = issue(c + 1) if c + 1 < NCH else None
            pending[0].wait()
            pending[1].wait()
            if wb[b] is not None:
                wb[b].wait()

            def row(r, carry, b=b):
                for g in range(D // L):
                    sl = pl.ds(g * L, L)
                    ov[b][r, sl] = xv[b][r, sl] * SCALE + pv[b][r, sl]
                return carry

            lax.fori_loop(0, CH, row, 0)
            wb[b] = pltpu.async_copy(ov[b],
                                     out_hbm.at[pl.ds(base + c * CH, CH), :],
                                     ws[b])
            pending = nxt
        wb[0].wait()
        wb[1].wait()

    buf = pltpu.VMEM((CH, D), jnp.float32)
    return pl.kernel(
        body,
        out_type=jax.ShapeDtypeStruct((B, D), jnp.float32),
        mesh=mesh,
        compiler_params=pltpu.CompilerParams(skip_device_barrier=True),
        scratch_types=[
            pltpu.VMEM((NCH, CH), jnp.int32),
            buf, buf, buf, buf, buf, buf,
            pltpu.SemaphoreType.DMA,
            pltpu.SemaphoreType.DMA,
            pltpu.SemaphoreType.DMA,
            pltpu.SemaphoreType.DMA,
        ],
    )


def kernel(x, step, pe):
    B = x.shape[0]
    info = plsc.get_sparse_core_info()
    NC, NS = info.num_cores, info.num_subcores
    NW = NC * NS
    b_per_w = B // NW
    CH = 128
    step3 = step.astype(jnp.int32).reshape(NW, b_per_w // CH, CH)
    return _make_sc_kernel(B, NC, NS)(x, step3, pe)

# --- scband reference (transcript-rebuilt; emitter-appended) ---
"""Pipeline reference for scband-positional-encoding-18150531793155 (READ-ONLY COPY).

The authoritative reference and input builder live on the scoring server;
editing this copy changes nothing except your own understanding.
"""

import jax, jax.numpy as jnp
import numpy as np
import math

STEPS = 1000
D = 128

def _build_pe(steps, d):
    pos = jnp.arange(steps, dtype=jnp.float32)[:, None]
    div = jnp.power(10000.0, jnp.arange(0, d, 2, dtype=jnp.float32) / d)
    pe = jnp.zeros((steps, d), dtype=jnp.float32)
    pe = pe.at[:, 0::2].set(jnp.sin(pos / div))
    pe = pe.at[:, 1::2].set(jnp.cos(pos / div))
    return pe

def setup_inputs(seed: int = 0) -> dict:
    key = jax.random.key(seed)
    k1, k2 = jax.random.split(key)
    x = jax.random.normal(k1, (16384, D), dtype=jnp.float32)
    step = jax.random.randint(k2, (16384,), 0, STEPS, dtype=jnp.int64)
    pe = _build_pe(STEPS, D)
    return {"x": x, "step": step, "pe": pe}

def reference(x, step, pe):
    # torch.gather(pe, 0, step.expand(d, -1).T) gathers the same row index
    # across every column, i.e. a plain row gather pe[step].
    pe_ = jnp.take(pe, step, axis=0)
    out = x * math.sqrt(D) + pe_
    return out

if __name__ == "__main__":
    import jax
    _d = setup_inputs()
    print(jax.jit(kernel)(*tuple(_d.values())))

</pallas_src>

<mosaic_0001>
#map = affine_map<(d0, d1) -> (0, 0)>
#map1 = affine_map<(d0, d1) -> (0, 0, 0)>
module attributes {stable_mosaic.version = 14 : i64} {
  func.func @body(%arg0: i32, %arg1: i32, %arg2: memref<16384x128xf32, #tpu.memory_space<hbm>>, %arg3: memref<32x4x128xi32, #tpu.memory_space<hbm>>, %arg4: memref<1000x128xf32, #tpu.memory_space<hbm>>, %arg5: memref<16384x128xf32, #tpu.memory_space<hbm>>, %arg6: memref<4x128xi32, #tpu.memory_space<vmem>>, %arg7: memref<128x128xf32, #tpu.memory_space<vmem>>, %arg8: memref<128x128xf32, #tpu.memory_space<vmem>>, %arg9: memref<128x128xf32, #tpu.memory_space<vmem>>, %arg10: memref<128x128xf32, #tpu.memory_space<vmem>>, %arg11: memref<128x128xf32, #tpu.memory_space<vmem>>, %arg12: memref<128x128xf32, #tpu.memory_space<vmem>>, %arg13: memref<!tpu.dma_semaphore, #tpu.memory_space<semaphore_mem>>, %arg14: memref<!tpu.dma_semaphore, #tpu.memory_space<semaphore_mem>>, %arg15: memref<!tpu.dma_semaphore, #tpu.memory_space<semaphore_mem>>, %arg16: memref<!tpu.dma_semaphore, #tpu.memory_space<semaphore_mem>>) attributes {dimension_semantics = [#tpu.dimension_semantics<core_parallel>, #tpu.dimension_semantics<subcore_parallel>], iteration_bounds = array<i64: 2, 16>, scalar_prefetch = 0 : i64, scratch_operands = 11 : i64, tpu.core_type = #tpu.core_type<sc_vector_subcore>, window_params = [{transform_indices = #map}, {transform_indices = #map1}, {transform_indices = #map}, {transform_indices = #map}]} {
    %mul3A = arith.constant 2 : i32
    %mul3A_0 = arith.muli %arg1, %mul3A : i32
    %add3A = arith.addi %mul3A_0, %arg0 : i32
    %mul3A_1 = arith.constant 512 : i32
    %mul3A_2 = arith.muli %add3A, %mul3A_1 : i32
    %dma_start3A = arith.constant 0 : i32
    %dma_start3A_3 = tpu.memref_slice %arg2[%mul3A_2, %dma_start3A] : memref<16384x128xf32, #tpu.memory_space<hbm>> -> memref<128x128xf32, #tpu.memory_space<hbm>>
    %dma_start3A_4 = arith.constant 0 : i32
    %dma_start3A_5 = tpu.memref_slice %arg2[%mul3A_2, %dma_start3A_4] : memref<16384x128xf32, #tpu.memory_space<hbm>> -> memref<128x128xf32, #tpu.memory_space<hbm>>
    tpu.enqueue_dma source(%dma_start3A_5 : memref<128x128xf32, #tpu.memory_space<hbm>>) target(%arg7 : memref<128x128xf32, #tpu.memory_space<vmem>>) target_semaphore(%arg13 : memref<!tpu.dma_semaphore, #tpu.memory_space<semaphore_mem>>)
    %add3A_6 = arith.constant 128 : i32
    %add3A_7 = arith.addi %mul3A_2, %add3A_6 : i32
    %dma_start3A_8 = arith.constant 0 : i32
    %dma_start3A_9 = tpu.memref_slice %arg2[%add3A_7, %dma_start3A_8] : memref<16384x128xf32, #tpu.memory_space<hbm>> -> memref<128x128xf32, #tpu.memory_space<hbm>>
    %dma_start3A_10 = arith.constant 0 : i32
    %dma_start3A_11 = tpu.memref_slice %arg2[%add3A_7, %dma_start3A_10] : memref<16384x128xf32, #tpu.memory_space<hbm>> -> memref<128x128xf32, #tpu.memory_space<hbm>>
    tpu.enqueue_dma source(%dma_start3A_11 : memref<128x128xf32, #tpu.memory_space<hbm>>) target(%arg8 : memref<128x128xf32, #tpu.memory_space<vmem>>) target_semaphore(%arg14 : memref<!tpu.dma_semaphore, #tpu.memory_space<semaphore_mem>>)
    "tpu.region"() ({
      %run_scoped3A = tpu.sem_alloc : memref<!tpu.dma_semaphore, #tpu.memory_space<semaphore_mem>>
      %dma_start3A_158 = arith.constant 0 : i32
      %dma_start3A_159 = arith.constant 0 : i32
      %dma_start3A_160 = tpu.memref_slice %arg3[%add3A, %dma_start3A_158, %dma_start3A_159] : memref<32x4x128xi32, #tpu.memory_space<hbm>> -> memref<1x4x128xi32, #tpu.memory_space<hbm>>
      %dma_start3A_161 = tpu.memref_squeeze %dma_start3A_160 : memref<1x4x128xi32, #tpu.memory_space<hbm>> -> memref<4x128xi32, #tpu.memory_space<hbm>>
      %dma_start3A_162 = arith.constant 0 : i32
      %dma_start3A_163 = arith.constant 0 : i32
      %dma_start3A_164 = tpu.memref_slice %arg3[%add3A, %dma_start3A_162, %dma_start3A_163] : memref<32x4x128xi32, #tpu.memory_space<hbm>> -> memref<1x4x128xi32, #tpu.memory_space<hbm>>
      %dma_start3A_165 = tpu.memref_squeeze %dma_start3A_164 : memref<1x4x128xi32, #tpu.memory_space<hbm>> -> memref<4x128xi32, #tpu.memory_space<hbm>>
      tpu.enqueue_dma source(%dma_start3A_165 : memref<4x128xi32, #tpu.memory_space<hbm>>) target(%arg6 : memref<4x128xi32, #tpu.memory_space<vmem>>) target_semaphore(%run_scoped3A : memref<!tpu.dma_semaphore, #tpu.memory_space<semaphore_mem>>)
      %dma_wait3A_166 = arith.constant 0 : i32
      %dma_wait3A_167 = arith.constant 0 : i32
      %dma_wait3A_168 = tpu.memref_slice %arg3[%add3A, %dma_wait3A_166, %dma_wait3A_167] : memref<32x4x128xi32, #tpu.memory_space<hbm>> -> memref<1x4x128xi32, #tpu.memory_space<hbm>>
      %dma_wait3A_169 = tpu.memref_squeeze %dma_wait3A_168 : memref<1x4x128xi32, #tpu.memory_space<hbm>> -> memref<4x128xi32, #tpu.memory_space<hbm>>
      %dma_wait3A_170 = arith.constant 0 : i32
      %dma_wait3A_171 = arith.constant 0 : i32
      %dma_wait3A_172 = tpu.memref_slice %arg3[%add3A, %dma_wait3A_170, %dma_wait3A_171] : memref<32x4x128xi32, #tpu.memory_space<hbm>> -> memref<1x4x128xi32, #tpu.memory_space<hbm>>
      %dma_wait3A_173 = tpu.memref_squeeze %dma_wait3A_172 : memref<1x4x128xi32, #tpu.memory_space<hbm>> -> memref<4x128xi32, #tpu.memory_space<hbm>>
      tpu.wait_dma2 semaphore(%run_scoped3A : memref<!tpu.dma_semaphore, #tpu.memory_space<semaphore_mem>>) src(%dma_wait3A_173 : memref<4x128xi32, #tpu.memory_space<hbm>>) dst(%arg6 : memref<4x128xi32, #tpu.memory_space<vmem>>)
      tpu.yield
    }) : () -> ()
    %dma_start3A_12 = arith.constant 0 : i32
    %dma_start3A_13 = arith.constant 0 : i32
    %dma_start3A_14 = tpu.memref_slice %arg6[%dma_start3A_12, %dma_start3A_13] : memref<4x128xi32, #tpu.memory_space<vmem>> -> memref<1x128xi32, #tpu.memory_space<vmem>>
    %dma_start3A_15 = tpu.memref_squeeze %dma_start3A_14 : memref<1x128xi32, #tpu.memory_space<vmem>> -> memref<128xi32, #tpu.memory_space<vmem>>
    %dma_start3A_16 = arith.constant 0 : i32
    %dma_start3A_17 = arith.constant 0 : i32
    %dma_start3A_18 = tpu.memref_slice %arg4[%dma_start3A_16, %dma_start3A_17] : memref<1000x128xf32, #tpu.memory_space<hbm>> -> memref<1000x128xf32, #tpu.memory_space<hbm>>
    tpu.enqueue_indirect_dma source(%dma_start3A_18 : memref<1000x128xf32, #tpu.memory_space<hbm>>) target(%arg9 : memref<128x128xf32, #tpu.memory_space<vmem>>) offsets(%dma_start3A_15 : memref<128xi32, #tpu.memory_space<vmem>>) semaphore(%arg13 : memref<!tpu.dma_semaphore, #tpu.memory_space<semaphore_mem>>)
    %dma_start3A_19 = arith.constant 1 : i32
    %dma_start3A_20 = arith.constant 0 : i32
    %dma_start3A_21 = tpu.memref_slice %arg6[%dma_start3A_19, %dma_start3A_20] : memref<4x128xi32, #tpu.memory_space<vmem>> -> memref<1x128xi32, #tpu.memory_space<vmem>>
    %dma_start3A_22 = tpu.memref_squeeze %dma_start3A_21 : memref<1x128xi32, #tpu.memory_space<vmem>> -> memref<128xi32, #tpu.memory_space<vmem>>
    %dma_start3A_23 = arith.constant 0 : i32
    %dma_start3A_24 = arith.constant 0 : i32
    %dma_start3A_25 = tpu.memref_slice %arg4[%dma_start3A_23, %dma_start3A_24] : memref<1000x128xf32, #tpu.memory_space<hbm>> -> memref<1000x128xf32, #tpu.memory_space<hbm>>
    tpu.enqueue_indirect_dma source(%dma_start3A_25 : memref<1000x128xf32, #tpu.memory_space<hbm>>) target(%arg10 : memref<128x128xf32, #tpu.memory_space<vmem>>) offsets(%dma_start3A_22 : memref<128xi32, #tpu.memory_space<vmem>>) semaphore(%arg14 : memref<!tpu.dma_semaphore, #tpu.memory_space<semaphore_mem>>)
    %dma_wait3A = arith.constant 0 : i32
    %dma_wait3A_26 = arith.constant 0 : i32
    %dma_wait3A_27 = tpu.memref_slice %arg6[%dma_wait3A, %dma_wait3A_26] : memref<4x128xi32, #tpu.memory_space<vmem>> -> memref<1x128xi32, #tpu.memory_space<vmem>>
    %dma_wait3A_28 = tpu.memref_squeeze %dma_wait3A_27 : memref<1x128xi32, #tpu.memory_space<vmem>> -> memref<128xi32, #tpu.memory_space<vmem>>
    %dma_wait3A_29 = arith.constant 0 : i32
    %dma_wait3A_30 = arith.constant 0 : i32
    %dma_wait3A_31 = tpu.memref_slice %arg4[%dma_wait3A_29, %dma_wait3A_30] : memref<1000x128xf32, #tpu.memory_space<hbm>> -> memref<1000x128xf32, #tpu.memory_space<hbm>>
    tpu.wait_indirect_dma semaphore(%arg13 : memref<!tpu.dma_semaphore, #tpu.memory_space<semaphore_mem>>) src(%dma_wait3A_31 : memref<1000x128xf32, #tpu.memory_space<hbm>>) dst(%arg9 : memref<128x128xf32, #tpu.memory_space<vmem>>)
    %dma_wait3A_32 = arith.constant 0 : i32
    %dma_wait3A_33 = tpu.memref_slice %arg2[%mul3A_2, %dma_wait3A_32] : memref<16384x128xf32, #tpu.memory_space<hbm>> -> memref<128x128xf32, #tpu.memory_space<hbm>>
    %dma_wait3A_34 = arith.constant 0 : i32
    %dma_wait3A_35 = tpu.memref_slice %arg2[%mul3A_2, %dma_wait3A_34] : memref<16384x128xf32, #tpu.memory_space<hbm>> -> memref<128x128xf32, #tpu.memory_space<hbm>>
    tpu.wait_dma2 semaphore(%arg13 : memref<!tpu.dma_semaphore, #tpu.memory_space<semaphore_mem>>) src(%dma_wait3A_35 : memref<128x128xf32, #tpu.memory_space<hbm>>) dst(%arg7 : memref<128x128xf32, #tpu.memory_space<vmem>>)
    %scan3A = arith.constant 0 : i32
    %scan3A_36 = arith.constant 0 : i32
    %scan3A_37 = arith.constant 128 : i32
    %scan3A_38 = arith.addi %scan3A_36, %scan3A_37 : i32
    %scan3A_39 = arith.constant 1 : i32
    scf.for %scan3A_158 = %scan3A_36 to %scan3A_38 step %scan3A_39  : i32 {
      %get3A = arith.index_cast %scan3A_158 : i32 to index
      %get3A_159 = arith.constant 0 : index
      %get3A_160 = tpu.vector_load %arg7[%get3A, %get3A_159] {strides = array<i32>} : memref<128x128xf32, #tpu.memory_space<vmem>>, vector<1x16xf32>,
      %get3A_161 = vector.shape_cast %get3A_160 : vector<1x16xf32> to vector<16xf32>
      %mul3A_162 = arith.constant 11.3137083 : f32
      %mul3A_163 = vector.broadcast %mul3A_162 : f32 to vector<16xf32>
      %mul3A_164 = arith.mulf %get3A_161, %mul3A_163 : vector<16xf32>
      %get3A_165 = arith.index_cast %scan3A_158 : i32 to index
      %get3A_166 = arith.constant 0 : index
      %get3A_167 = tpu.vector_load %arg9[%get3A_165, %get3A_166] {strides = array<i32>} : memref<128x128xf32, #tpu.memory_space<vmem>>, vector<1x16xf32>,
      %get3A_168 = vector.shape_cast %get3A_167 : vector<1x16xf32> to vector<16xf32>
      %add3A_169 = arith.addf %mul3A_164, %get3A_168 : vector<16xf32>
      %swap3A = arith.index_cast %scan3A_158 : i32 to index
      %swap3A_170 = arith.constant 0 : index
      %swap3A_171 = tpu.vector_load %arg11[%swap3A, %swap3A_170] {strides = array<i32>} : memref<128x128xf32, #tpu.memory_space<vmem>>, vector<1x16xf32>,
      %swap3A_172 = vector.shape_cast %swap3A_171 : vector<1x16xf32> to vector<16xf32>
      %swap3A_173 = vector.shape_cast %add3A_169 : vector<16xf32> to vector<1x16xf32>
      tpu.vector_store %arg11[%swap3A, %swap3A_170], %swap3A_173 {strides = array<i32>} : memref<128x128xf32, #tpu.memory_space<vmem>>, vector<1x16xf32>,
      %get3A_174 = arith.index_cast %scan3A_158 : i32 to index
      %get3A_175 = arith.constant 16 : index
      %get3A_176 = tpu.vector_load %arg7[%get3A_174, %get3A_175] {strides = array<i32>} : memref<128x128xf32, #tpu.memory_space<vmem>>, vector<1x16xf32>,
      %get3A_177 = vector.shape_cast %get3A_176 : vector<1x16xf32> to vector<16xf32>
      %mul3A_178 = arith.constant 11.3137083 : f32
      %mul3A_179 = vector.broadcast %mul3A_178 : f32 to vector<16xf32>
      %mul3A_180 = arith.mulf %get3A_177, %mul3A_179 : vector<16xf32>
      %get3A_181 = arith.index_cast %scan3A_158 : i32 to index
      %get3A_182 = arith.constant 16 : index
      %get3A_183 = tpu.vector_load %arg9[%get3A_181, %get3A_182] {strides = array<i32>} : memref<128x128xf32, #tpu.memory_space<vmem>>, vector<1x16xf32>,
      %get3A_184 = vector.shape_cast %get3A_183 : vector<1x16xf32> to vector<16xf32>
      %add3A_185 = arith.addf %mul3A_180, %get3A_184 : vector<16xf32>
      %swap3A_186 = arith.index_cast %scan3A_158 : i32 to index
      %swap3A_187 = arith.constant 16 : index
      %swap3A_188 = tpu.vector_load %arg11[%swap3A_186, %swap3A_187] {strides = array<i32>} : memref<128x128xf32, #tpu.memory_space<vmem>>, vector<1x16xf32>,
      %swap3A_189 = vector.shape_cast %swap3A_188 : vector<1x16xf32> to vector<16xf32>
      %swap3A_190 = vector.shape_cast %add3A_185 : vector<16xf32> to vector<1x16xf32>
      tpu.vector_store %arg11[%swap3A_186, %swap3A_187], %swap3A_190 {strides = array<i32>} : memref<128x128xf32, #tpu.memory_space<vmem>>, vector<1x16xf32>,
      %get3A_191 = arith.index_cast %scan3A_158 : i32 to index
      %get3A_192 = arith.constant 32 : index
      %get3A_193 = tpu.vector_load %arg7[%get3A_191, %get3A_192] {strides = array<i32>} : memref<128x128xf32, #tpu.memory_space<vmem>>, vector<1x16xf32>,
      %get3A_194 = vector.shape_cast %get3A_193 : vector<1x16xf32> to vector<16xf32>
      %mul3A_195 = arith.constant 11.3137083 : f32
      %mul3A_196 = vector.broadcast %mul3A_195 : f32 to vector<16xf32>
      %mul3A_197 = arith.mulf %get3A_194, %mul3A_196 : vector<16xf32>
      %get3A_198 = arith.index_cast %scan3A_158 : i32 to index
      %get3A_199 = arith.constant 32 : index
      %get3A_200 = tpu.vector_load %arg9[%get3A_198, %get3A_199] {strides = array<i32>} : memref<128x128xf32, #tpu.memory_space<vmem>>, vector<1x16xf32>,
      %get3A_201 = vector.shape_cast %get3A_200 : vector<1x16xf32> to vector<16xf32>
      %add3A_202 = arith.addf %mul3A_197, %get3A_201 : vector<16xf32>
      %swap3A_203 = arith.index_cast %scan3A_158 : i32 to index
      %swap3A_204 = arith.constant 32 : index
      %swap3A_205 = tpu.vector_load %arg11[%swap3A_203, %swap3A_204] {strides = array<i32>} : memref<128x128xf32, #tpu.memory_space<vmem>>, vector<1x16xf32>,
      %swap3A_206 = vector.shape_cast %swap3A_205 : vector<1x16xf32> to vector<16xf32>
      %swap3A_207 = vector.shape_cast %add3A_202 : vector<16xf32> to vector<1x16xf32>
      tpu.vector_store %arg11[%swap3A_203, %swap3A_204], %swap3A_207 {strides = array<i32>} : memref<128x128xf32, #tpu.memory_space<vmem>>, vector<1x16xf32>,
      %get3A_208 = arith.index_cast %scan3A_158 : i32 to index
      %get3A_209 = arith.constant 48 : index
      %get3A_210 = tpu.vector_load %arg7[%get3A_208, %get3A_209] {strides = array<i32>} : memref<128x128xf32, #tpu.memory_space<vmem>>, vector<1x16xf32>,
      %get3A_211 = vector.shape_cast %get3A_210 : vector<1x16xf32> to vector<16xf32>
      %mul3A_212 = arith.constant 11.3137083 : f32
      %mul3A_213 = vector.broadcast %mul3A_212 : f32 to vector<16xf32>
      %mul3A_214 = arith.mulf %get3A_211, %mul3A_213 : vector<16xf32>
      %get3A_215 = arith.index_cast %scan3A_158 : i32 to index
      %get3A_216 = arith.constant 48 : index
      %get3A_217 = tpu.vector_load %arg9[%get3A_215, %get3A_216] {strides = array<i32>} : memref<128x128xf32, #tpu.memory_space<vmem>>, vector<1x16xf32>,
      %get3A_218 = vector.shape_cast %get3A_217 : vector<1x16xf32> to vector<16xf32>
      %add3A_219 = arith.addf %mul3A_214, %get3A_218 : vector<16xf32>
      %swap3A_220 = arith.index_cast %scan3A_158 : i32 to index
      %swap3A_221 = arith.constant 48 : index
      %swap3A_222 = tpu.vector_load %arg11[%swap3A_220, %swap3A_221] {strides = array<i32>} : memref<128x128xf32, #tpu.memory_space<vmem>>, vector<1x16xf32>,
      %swap3A_223 = vector.shape_cast %swap3A_222 : vector<1x16xf32> to vector<16xf32>
      %swap3A_224 = vector.shape_cast %add3A_219 : vector<16xf32> to vector<1x16xf32>
      tpu.vector_store %arg11[%swap3A_220, %swap3A_221], %swap3A_224 {strides = array<i32>} : memref<128x128xf32, #tpu.memory_space<vmem>>, vector<1x16xf32>,
      %get3A_225 = arith.index_cast %scan3A_158 : i32 to index
      %get3A_226 = arith.constant 64 : index
      %get3A_227 = tpu.vector_load %arg7[%get3A_225, %get3A_226] {strides = array<i32>} : memref<128x128xf32, #tpu.memory_space<vmem>>, vector<1x16xf32>,
      %get3A_228 = vector.shape_cast %get3A_227 : vector<1x16xf32> to vector<16xf32>
      %mul3A_229 = arith.constant 11.3137083 : f32
      %mul3A_230 = vector.broadcast %mul3A_229 : f32 to vector<16xf32>
      %mul3A_231 = arith.mulf %get3A_228, %mul3A_230 : vector<16xf32>
      %get3A_232 = arith.index_cast %scan3A_158 : i32 to index
      %get3A_233 = arith.constant 64 : index
      %get3A_234 = tpu.vector_load %arg9[%get3A_232, %get3A_233] {strides = array<i32>} : memref<128x128xf32, #tpu.memory_space<vmem>>, vector<1x16xf32>,
      %get3A_235 = vector.shape_cast %get3A_234 : vector<1x16xf32> to vector<16xf32>
      %add3A_236 = arith.addf %mul3A_231, %get3A_235 : vector<16xf32>
      %swap3A_237 = arith.index_cast %scan3A_158 : i32 to index
      %swap3A_238 = arith.constant 64 : index
      %swap3A_239 = tpu.vector_load %arg11[%swap3A_237, %swap3A_238] {strides = array<i32>} : memref<128x128xf32, #tpu.memory_space<vmem>>, vector<1x16xf32>,
      %swap3A_240 = vector.shape_cast %swap3A_239 : vector<1x16xf32> to vector<16xf32>
      %swap3A_241 = vector.shape_cast %add3A_236 : vector<16xf32> to vector<1x16xf32>
      tpu.vector_store %arg11[%swap3A_237, %swap3A_238], %swap3A_241 {strides = array<i32>} : memref<128x128xf32, #tpu.memory_space<vmem>>, vector<1x16xf32>,
      %get3A_242 = arith.index_cast %scan3A_158 : i32 to index
      %get3A_243 = arith.constant 80 : index
      %get3A_244 = tpu.vector_load %arg7[%get3A_242, %get3A_243] {strides = array<i32>} : memref<128x128xf32, #tpu.memory_space<vmem>>, vector<1x16xf32>,
      %get3A_245 = vector.shape_cast %get3A_244 : vector<1x16xf32> to vector<16xf32>
      %mul3A_246 = arith.constant 11.3137083 : f32
      %mul3A_247 = vector.broadcast %mul3A_246 : f32 to vector<16xf32>
      %mul3A_248 = arith.mulf %get3A_245, %mul3A_247 : vector<16xf32>
      %get3A_249 = arith.index_cast %scan3A_158 : i32 to index
      %get3A_250 = arith.constant 80 : index
      %get3A_251 = tpu.vector_load %arg9[%get3A_249, %get3A_250] {strides = array<i32>} : memref<128x128xf32, #tpu.memory_space<vmem>>, vector<1x16xf32>,
      %get3A_252 = vector.shape_cast %get3A_251 : vector<1x16xf32> to vector<16xf32>
      %add3A_253 = arith.addf %mul3A_248, %get3A_252 : vector<16xf32>
      %swap3A_254 = arith.index_cast %scan3A_158 : i32 to index
      %swap3A_255 = arith.constant 80 : index
      %swap3A_256 = tpu.vector_load %arg11[%swap3A_254, %swap3A_255] {strides = array<i32>} : memref<128x128xf32, #tpu.memory_space<vmem>>, vector<1x16xf32>,
      %swap3A_257 = vector.shape_cast %swap3A_256 : vector<1x16xf32> to vector<16xf32>
      %swap3A_258 = vector.shape_cast %add3A_253 : vector<16xf32> to vector<1x16xf32>
      tpu.vector_store %arg11[%swap3A_254, %swap3A_255], %swap3A_258 {strides = array<i32>} : memref<128x128xf32, #tpu.memory_space<vmem>>, vector<1x16xf32>,
      %get3A_259 = arith.index_cast %scan3A_158 : i32 to index
      %get3A_260 = arith.constant 96 : index
      %get3A_261 = tpu.vector_load %arg7[%get3A_259, %get3A_260] {strides = array<i32>} : memref<128x128xf32, #tpu.memory_space<vmem>>, vector<1x16xf32>,
      %get3A_262 = vector.shape_cast %get3A_261 : vector<1x16xf32> to vector<16xf32>
      %mul3A_263 = arith.constant 11.3137083 : f32
      %mul3A_264 = vector.broadcast %mul3A_263 : f32 to vector<16xf32>
      %mul3A_265 = arith.mulf %get3A_262, %mul3A_264 : vector<16xf32>
      %get3A_266 = arith.index_cast %scan3A_158 : i32 to index
      %get3A_267 = arith.constant 96 : index
      %get3A_268 = tpu.vector_load %arg9[%get3A_266, %get3A_267] {strides = array<i32>} : memref<128x128xf32, #tpu.memory_space<vmem>>, vector<1x16xf32>,
      %get3A_269 = vector.shape_cast %get3A_268 : vector<1x16xf32> to vector<16xf32>
      %add3A_270 = arith.addf %mul3A_265, %get3A_269 : vector<16xf32>
      %swap3A_271 = arith.index_cast %scan3A_158 : i32 to index
      %swap3A_272 = arith.constant 96 : index
      %swap3A_273 = tpu.vector_load %arg11[%swap3A_271, %swap3A_272] {strides = array<i32>} : memref<128x128xf32, #tpu.memory_space<vmem>>, vector<1x16xf32>,
      %swap3A_274 = vector.shape_cast %swap3A_273 : vector<1x16xf32> to vector<16xf32>
      %swap3A_275 = vector.shape_cast %add3A_270 : vector<16xf32> to vector<1x16xf32>
      tpu.vector_store %arg11[%swap3A_271, %swap3A_272], %swap3A_275 {strides = array<i32>} : memref<128x128xf32, #tpu.memory_space<vmem>>, vector<1x16xf32>,
      %get3A_276 = arith.index_cast %scan3A_158 : i32 to index
      %get3A_277 = arith.constant 112 : index
      %get3A_278 = tpu.vector_load %arg7[%get3A_276, %get3A_277] {strides = array<i32>} : memref<128x128xf32, #tpu.memory_space<vmem>>, vector<1x16xf32>,
      %get3A_279 = vector.shape_cast %get3A_278 : vector<1x16xf32> to vector<16xf32>
      %mul3A_280 = arith.constant 11.3137083 : f32
      %mul3A_281 = vector.broadcast %mul3A_280 : f32 to vector<16xf32>
      %mul3A_282 = arith.mulf %get3A_279, %mul3A_281 : vector<16xf32>
      %get3A_283 = arith.index_cast %scan3A_158 : i32 to index
      %get3A_284 = arith.constant 112 : index
      %get3A_285 = tpu.vector_load %arg9[%get3A_283, %get3A_284] {strides = array<i32>} : memref<128x128xf32, #tpu.memory_space<vmem>>, vector<1x16xf32>,
      %get3A_286 = vector.shape_cast %get3A_285 : vector<1x16xf32> to vector<16xf32>
      %add3A_287 = arith.addf %mul3A_282, %get3A_286 : vector<16xf32>
      %swap3A_288 = arith.index_cast %scan3A_158 : i32 to index
      %swap3A_289 = arith.constant 112 : index
      %swap3A_290 = tpu.vector_load %arg11[%swap3A_288, %swap3A_289] {strides = array<i32>} : memref<128x128xf32, #tpu.memory_space<vmem>>, vector<1x16xf32>,
      %swap3A_291 = vector.shape_cast %swap3A_290 : vector<1x16xf32> to vector<16xf32>
      %swap3A_292 = vector.shape_cast %add3A_287 : vector<16xf32> to vector<1x16xf32>
      tpu.vector_store %arg11[%swap3A_288, %swap3A_289], %swap3A_292 {strides = array<i32>} : memref<128x128xf32, #tpu.memory_space<vmem>>, vector<1x16xf32>,
    }
    %scan3A_40 = arith.constant 128 : i32
    %add3A_41 = arith.constant 0 : i32
    %add3A_42 = arith.addi %mul3A_2, %add3A_41 : i32
    %dma_start3A_43 = arith.constant 0 : i32
    %dma_start3A_44 = tpu.memref_slice %arg5[%add3A_42, %dma_start3A_43] : memref<16384x128xf32, #tpu.memory_space<hbm>> -> memref<128x128xf32, #tpu.memory_space<hbm>>
    %dma_start3A_45 = arith.constant 0 : i32
    %dma_start3A_46 = tpu.memref_slice %arg5[%add3A_42, %dma_start3A_45] : memref<16384x128xf32, #tpu.memory_space<hbm>> -> memref<128x128xf32, #tpu.memory_space<hbm>>
    tpu.enqueue_dma source(%arg11 : memref<128x128xf32, #tpu.memory_space<vmem>>) target(%dma_start3A_46 : memref<128x128xf32, #tpu.memory_space<hbm>>) target_semaphore(%arg15 : memref<!tpu.dma_semaphore, #tpu.memory_space<semaphore_mem>>)
    %dma_start3A_47 = arith.constant 2 : i32
    %dma_start3A_48 = arith.constant 0 : i32
    %dma_start3A_49 = tpu.memref_slice %arg6[%dma_start3A_47, %dma_start3A_48] : memref<4x128xi32, #tpu.memory_space<vmem>> -> memref<1x128xi32, #tpu.memory_space<vmem>>
    %dma_start3A_50 = tpu.memref_squeeze %dma_start3A_49 : memref<1x128xi32, #tpu.memory_space<vmem>> -> memref<128xi32, #tpu.memory_space<vmem>>
    %dma_start3A_51 = arith.constant 0 : i32
    %dma_start3A_52 = arith.constant 0 : i32
    %dma_start3A_53 = tpu.memref_slice %arg4[%dma_start3A_51, %dma_start3A_52] : memref<1000x128xf32, #tpu.memory_space<hbm>> -> memref<1000x128xf32, #tpu.memory_space<hbm>>
    tpu.enqueue_indirect_dma source(%dma_start3A_53 : memref<1000x128xf32, #tpu.memory_space<hbm>>) target(%arg9 : memref<128x128xf32, #tpu.memory_space<vmem>>) offsets(%dma_start3A_50 : memref<128xi32, #tpu.memory_space<vmem>>) semaphore(%arg13 : memref<!tpu.dma_semaphore, #tpu.memory_space<semaphore_mem>>)
    %add3A_54 = arith.constant 256 : i32
    %add3A_55 = arith.addi %mul3A_2, %add3A_54 : i32
    %dma_start3A_56 = arith.constant 0 : i32
    %dma_start3A_57 = tpu.memref_slice %arg2[%add3A_55, %dma_start3A_56] : memref<16384x128xf32, #tpu.memory_space<hbm>> -> memref<128x128xf32, #tpu.memory_space<hbm>>
    %dma_start3A_58 = arith.constant 0 : i32
    %dma_start3A_59 = tpu.memref_slice %arg2[%add3A_55, %dma_start3A_58] : memref<16384x128xf32, #tpu.memory_space<hbm>> -> memref<128x128xf32, #tpu.memory_space<hbm>>
    tpu.enqueue_dma source(%dma_start3A_59 : memref<128x128xf32, #tpu.memory_space<hbm>>) target(%arg7 : memref<128x128xf32, #tpu.memory_space<vmem>>) target_semaphore(%arg13 : memref<!tpu.dma_semaphore, #tpu.memory_space<semaphore_mem>>)
    %dma_wait3A_60 = arith.constant 1 : i32
    %dma_wait3A_61 = arith.constant 0 : i32
    %dma_wait3A_62 = tpu.memref_slice %arg6[%dma_wait3A_60, %dma_wait3A_61] : memref<4x128xi32, #tpu.memory_space<vmem>> -> memref<1x128xi32, #tpu.memory_space<vmem>>
    %dma_wait3A_63 = tpu.memref_squeeze %dma_wait3A_62 : memref<1x128xi32, #tpu.memory_space<vmem>> -> memref<128xi32, #tpu.memory_space<vmem>>
    %dma_wait3A_64 = arith.constant 0 : i32
    %dma_wait3A_65 = arith.constant 0 : i32
    %dma_wait3A_66 = tpu.memref_slice %arg4[%dma_wait3A_64, %dma_wait3A_65] : memref<1000x128xf32, #tpu.memory_space<hbm>> -> memref<1000x128xf32, #tpu.memory_space<hbm>>
    tpu.wait_indirect_dma semaphore(%arg14 : memref<!tpu.dma_semaphore, #tpu.memory_space<semaphore_mem>>) src(%dma_wait3A_66 : memref<1000x128xf32, #tpu.memory_space<hbm>>) dst(%arg10 : memref<128x128xf32, #tpu.memory_space<vmem>>)
    %dma_wait3A_67 = arith.constant 0 : i32
    %dma_wait3A_68 = tpu.memref_slice %arg2[%add3A_7, %dma_wait3A_67] : memref<16384x128xf32, #tpu.memory_space<hbm>> -> memref<128x128xf32, #tpu.memory_space<hbm>>
    %dma_wait3A_69 = arith.constant 0 : i32
    %dma_wait3A_70 = tpu.memref_slice %arg2[%add3A_7, %dma_wait3A_69] : memref<16384x128xf32, #tpu.memory_space<hbm>> -> memref<128x128xf32, #tpu.memory_space<hbm>>
    tpu.wait_dma2 semaphore(%arg14 : memref<!tpu.dma_semaphore, #tpu.memory_space<semaphore_mem>>) src(%dma_wait3A_70 : memref<128x128xf32, #tpu.memory_space<hbm>>) dst(%arg8 : memref<128x128xf32, #tpu.memory_space<vmem>>)
    %scan3A_71 = arith.constant 0 : i32
    %scan3A_72 = arith.constant 0 : i32
    %scan3A_73 = arith.constant 128 : i32
    %scan3A_74 = arith.addi %scan3A_72, %scan3A_73 : i32
    %scan3A_75 = arith.constant 1 : i32
    scf.for %scan3A_158 = %scan3A_72 to %scan3A_74 step %scan3A_75  : i32 {
      %get3A = arith.index_cast %scan3A_158 : i32 to index
      %get3A_159 = arith.constant 0 : index
      %get3A_160 = tpu.vector_load %arg8[%get3A, %get3A_159] {strides = array<i32>} : memref<128x128xf32, #tpu.memory_space<vmem>>, vector<1x16xf32>,
      %get3A_161 = vector.shape_cast %get3A_160 : vector<1x16xf32> to vector<16xf32>
      %mul3A_162 = arith.constant 11.3137083 : f32
      %mul3A_163 = vector.broadcast %mul3A_162 : f32 to vector<16xf32>
      %mul3A_164 = arith.mulf %get3A_161, %mul3A_163 : vector<16xf32>
      %get3A_165 = arith.index_cast %scan3A_158 : i32 to index
      %get3A_166 = arith.constant 0 : index
      %get3A_167 = tpu.vector_load %arg10[%get3A_165, %get3A_166] {strides = array<i32>} : memref<128x128xf32, #tpu.memory_space<vmem>>, vector<1x16xf32>,
      %get3A_168 = vector.shape_cast %get3A_167 : vector<1x16xf32> to vector<16xf32>
      %add3A_169 = arith.addf %mul3A_164, %get3A_168 : vector<16xf32>
      %swap3A = arith.index_cast %scan3A_158 : i32 to index
      %swap3A_170 = arith.constant 0 : index
      %swap3A_171 = tpu.vector_load %arg12[%swap3A, %swap3A_170] {strides = array<i32>} : memref<128x128xf32, #tpu.memory_space<vmem>>, vector<1x16xf32>,
      %swap3A_172 = vector.shape_cast %swap3A_171 : vector<1x16xf32> to vector<16xf32>
      %swap3A_173 = vector.shape_cast %add3A_169 : vector<16xf32> to vector<1x16xf32>
      tpu.vector_store %arg12[%swap3A, %swap3A_170], %swap3A_173 {strides = array<i32>} : memref<128x128xf32, #tpu.memory_space<vmem>>, vector<1x16xf32>,
      %get3A_174 = arith.index_cast %scan3A_158 : i32 to index
      %get3A_175 = arith.constant 16 : index
      %get3A_176 = tpu.vector_load %arg8[%get3A_174, %get3A_175] {strides = array<i32>} : memref<128x128xf32, #tpu.memory_space<vmem>>, vector<1x16xf32>,
      %get3A_177 = vector.shape_cast %get3A_176 : vector<1x16xf32> to vector<16xf32>
      %mul3A_178 = arith.constant 11.3137083 : f32
      %mul3A_179 = vector.broadcast %mul3A_178 : f32 to vector<16xf32>
      %mul3A_180 = arith.mulf %get3A_177, %mul3A_179 : vector<16xf32>
      %get3A_181 = arith.index_cast %scan3A_158 : i32 to index
      %get3A_182 = arith.constant 16 : index
      %get3A_183 = tpu.vector_load %arg10[%get3A_181, %get3A_182] {strides = array<i32>} : memref<128x128xf32, #tpu.memory_space<vmem>>, vector<1x16xf32>,
      %get3A_184 = vector.shape_cast %get3A_183 : vector<1x16xf32> to vector<16xf32>
      %add3A_185 = arith.addf %mul3A_180, %get3A_184 : vector<16xf32>
      %swap3A_186 = arith.index_cast %scan3A_158 : i32 to index
      %swap3A_187 = arith.constant 16 : index
      %swap3A_188 = tpu.vector_load %arg12[%swap3A_186, %swap3A_187] {strides = array<i32>} : memref<128x128xf32, #tpu.memory_space<vmem>>, vector<1x16xf32>,
      %swap3A_189 = vector.shape_cast %swap3A_188 : vector<1x16xf32> to vector<16xf32>
      %swap3A_190 = vector.shape_cast %add3A_185 : vector<16xf32> to vector<1x16xf32>
      tpu.vector_store %arg12[%swap3A_186, %swap3A_187], %swap3A_190 {strides = array<i32>} : memref<128x128xf32, #tpu.memory_space<vmem>>, vector<1x16xf32>,
      %get3A_191 = arith.index_cast %scan3A_158 : i32 to index
      %get3A_192 = arith.constant 32 : index
      %get3A_193 = tpu.vector_load %arg8[%get3A_191, %get3A_192] {strides = array<i32>} : memref<128x128xf32, #tpu.memory_space<vmem>>, vector<1x16xf32>,
      %get3A_194 = vector.shape_cast %get3A_193 : vector<1x16xf32> to vector<16xf32>
      %mul3A_195 = arith.constant 11.3137083 : f32
      %mul3A_196 = vector.broadcast %mul3A_195 : f32 to vector<16xf32>
      %mul3A_197 = arith.mulf %get3A_194, %mul3A_196 : vector<16xf32>
      %get3A_198 = arith.index_cast %scan3A_158 : i32 to index
      %get3A_199 = arith.constant 32 : index
      %get3A_200 = tpu.vector_load %arg10[%get3A_198, %get3A_199] {strides = array<i32>} : memref<128x128xf32, #tpu.memory_space<vmem>>, vector<1x16xf32>,
      %get3A_201 = vector.shape_cast %get3A_200 : vector<1x16xf32> to vector<16xf32>
      %add3A_202 = arith.addf %mul3A_197, %get3A_201 : vector<16xf32>
      %swap3A_203 = arith.index_cast %scan3A_158 : i32 to index
      %swap3A_204 = arith.constant 32 : index
      %swap3A_205 = tpu.vector_load %arg12[%swap3A_203, %swap3A_204] {strides = array<i32>} : memref<128x128xf32, #tpu.memory_space<vmem>>, vector<1x16xf32>,
      %swap3A_206 = vector.shape_cast %swap3A_205 : vector<1x16xf32> to vector<16xf32>
      %swap3A_207 = vector.shape_cast %add3A_202 : vector<16xf32> to vector<1x16xf32>
      tpu.vector_store %arg12[%swap3A_203, %swap3A_204], %swap3A_207 {strides = array<i32>} : memref<128x128xf32, #tpu.memory_space<vmem>>, vector<1x16xf32>,
      %get3A_208 = arith.index_cast %scan3A_158 : i32 to index
      %get3A_209 = arith.constant 48 : index
      %get3A_210 = tpu.vector_load %arg8[%get3A_208, %get3A_209] {strides = array<i32>} : memref<128x128xf32, #tpu.memory_space<vmem>>, vector<1x16xf32>,
      %get3A_211 = vector.shape_cast %get3A_210 : vector<1x16xf32> to vector<16xf32>
      %mul3A_212 = arith.constant 11.3137083 : f32
      %mul3A_213 = vector.broadcast %mul3A_212 : f32 to vector<16xf32>
      %mul3A_214 = arith.mulf %get3A_211, %mul3A_213 : vector<16xf32>
      %get3A_215 = arith.index_cast %scan3A_158 : i32 to index
      %get3A_216 = arith.constant 48 : index
      %get3A_217 = tpu.vector_load %arg10[%get3A_215, %get3A_216] {strides = array<i32>} : memref<128x128xf32, #tpu.memory_space<vmem>>, vector<1x16xf32>,
      %get3A_218 = vector.shape_cast %get3A_217 : vector<1x16xf32> to vector<16xf32>
      %add3A_219 = arith.addf %mul3A_214, %get3A_218 : vector<16xf32>
      %swap3A_220 = arith.index_cast %scan3A_158 : i32 to index
      %swap3A_221 = arith.constant 48 : index
      %swap3A_222 = tpu.vector_load %arg12[%swap3A_220, %swap3A_221] {strides = array<i32>} : memref<128x128xf32, #tpu.memory_space<vmem>>, vector<1x16xf32>,
      %swap3A_223 = vector.shape_cast %swap3A_222 : vector<1x16xf32> to vector<16xf32>
      %swap3A_224 = vector.shape_cast %add3A_219 : vector<16xf32> to vector<1x16xf32>
      tpu.vector_store %arg12[%swap3A_220, %swap3A_221], %swap3A_224 {strides = array<i32>} : memref<128x128xf32, #tpu.memory_space<vmem>>, vector<1x16xf32>,
      %get3A_225 = arith.index_cast %scan3A_158 : i32 to index
      %get3A_226 = arith.constant 64 : index
      %get3A_227 = tpu.vector_load %arg8[%get3A_225, %get3A_226] {strides = array<i32>} : memref<128x128xf32, #tpu.memory_space<vmem>>, vector<1x16xf32>,
      %get3A_228 = vector.shape_cast %get3A_227 : vector<1x16xf32> to vector<16xf32>
      %mul3A_229 = arith.constant 11.3137083 : f32
      %mul3A_230 = vector.broadcast %mul3A_229 : f32 to vector<16xf32>
      %mul3A_231 = arith.mulf %get3A_228, %mul3A_230 : vector<16xf32>
      %get3A_232 = arith.index_cast %scan3A_158 : i32 to index
      %get3A_233 = arith.constant 64 : index
      %get3A_234 = tpu.vector_load %arg10[%get3A_232, %get3A_233] {strides = array<i32>} : memref<128x128xf32, #tpu.memory_space<vmem>>, vector<1x16xf32>,
      %get3A_235 = vector.shape_cast %get3A_234 : vector<1x16xf32> to vector<16xf32>
      %add3A_236 = arith.addf %mul3A_231, %get3A_235 : vector<16xf32>
      %swap3A_237 = arith.index_cast %scan3A_158 : i32 to index
      %swap3A_238 = arith.constant 64 : index
      %swap3A_239 = tpu.vector_load %arg12[%swap3A_237, %swap3A_238] {strides = array<i32>} : memref<128x128xf32, #tpu.memory_space<vmem>>, vector<1x16xf32>,
      %swap3A_240 = vector.shape_cast %swap3A_239 : vector<1x16xf32> to vector<16xf32>
      %swap3A_241 = vector.shape_cast %add3A_236 : vector<16xf32> to vector<1x16xf32>
      tpu.vector_store %arg12[%swap3A_237, %swap3A_238], %swap3A_241 {strides = array<i32>} : memref<128x128xf32, #tpu.memory_space<vmem>>, vector<1x16xf32>,
      %get3A_242 = arith.index_cast %scan3A_158 : i32 to index
      %get3A_243 = arith.constant 80 : index
      %get3A_244 = tpu.vector_load %arg8[%get3A_242, %get3A_243] {strides = array<i32>} : memref<128x128xf32, #tpu.memory_space<vmem>>, vector<1x16xf32>,
      %get3A_245 = vector.shape_cast %get3A_244 : vector<1x16xf32> to vector<16xf32>
      %mul3A_246 = arith.constant 11.3137083 : f32
      %mul3A_247 = vector.broadcast %mul3A_246 : f32 to vector<16xf32>
      %mul3A_248 = arith.mulf %get3A_245, %mul3A_247 : vector<16xf32>
      %get3A_249 = arith.index_cast %scan3A_158 : i32 to index
      %get3A_250 = arith.constant 80 : index
      %get3A_251 = tpu.vector_load %arg10[%get3A_249, %get3A_250] {strides = array<i32>} : memref<128x128xf32, #tpu.memory_space<vmem>>, vector<1x16xf32>,
      %get3A_252 = vector.shape_cast %get3A_251 : vector<1x16xf32> to vector<16xf32>
      %add3A_253 = arith.addf %mul3A_248, %get3A_252 : vector<16xf32>
      %swap3A_254 = arith.index_cast %scan3A_158 : i32 to index
      %swap3A_255 = arith.constant 80 : index
      %swap3A_256 = tpu.vector_load %arg12[%swap3A_254, %swap3A_255] {strides = array<i32>} : memref<128x128xf32, #tpu.memory_space<vmem>>, vector<1x16xf32>,
      %swap3A_257 = vector.shape_cast %swap3A_256 : vector<1x16xf32> to vector<16xf32>
      %swap3A_258 = vector.shape_cast %add3A_253 : vector<16xf32> to vector<1x16xf32>
      tpu.vector_store %arg12[%swap3A_254, %swap3A_255], %swap3A_258 {strides = array<i32>} : memref<128x128xf32, #tpu.memory_space<vmem>>, vector<1x16xf32>,
      %get3A_259 = arith.index_cast %scan3A_158 : i32 to index
      %get3A_260 = arith.constant 96 : index
      %get3A_261 = tpu.vector_load %arg8[%get3A_259, %get3A_260] {strides = array<i32>} : memref<128x128xf32, #tpu.memory_space<vmem>>, vector<1x16xf32>,
      %get3A_262 = vector.shape_cast %get3A_261 : vector<1x16xf32> to vector<16xf32>
      %mul3A_263 = arith.constant 11.3137083 : f32
      %mul3A_264 = vector.broadcast %mul3A_263 : f32 to vector<16xf32>
      %mul3A_265 = arith.mulf %get3A_262, %mul3A_264 : vector<16xf32>
      %get3A_266 = arith.index_cast %scan3A_158 : i32 to index
      %get3A_267 = arith.constant 96 : index
      %get3A_268 = tpu.vector_load %arg10[%get3A_266, %get3A_267] {strides = array<i32>} : memref<128x128xf32, #tpu.memory_space<vmem>>, vector<1x16xf32>,
      %get3A_269 = vector.shape_cast %get3A_268 : vector<1x16xf32> to vector<16xf32>
      %add3A_270 = arith.addf %mul3A_265, %get3A_269 : vector<16xf32>
      %swap3A_271 = arith.index_cast %scan3A_158 : i32 to index
      %swap3A_272 = arith.constant 96 : index
      %swap3A_273 = tpu.vector_load %arg12[%swap3A_271, %swap3A_272] {strides = array<i32>} : memref<128x128xf32, #tpu.memory_space<vmem>>, vector<1x16xf32>,
      %swap3A_274 = vector.shape_cast %swap3A_273 : vector<1x16xf32> to vector<16xf32>
      %swap3A_275 = vector.shape_cast %add3A_270 : vector<16xf32> to vector<1x16xf32>
      tpu.vector_store %arg12[%swap3A_271, %swap3A_272], %swap3A_275 {strides = array<i32>} : memref<128x128xf32, #tpu.memory_space<vmem>>, vector<1x16xf32>,
      %get3A_276 = arith.index_cast %scan3A_158 : i32 to index
      %get3A_277 = arith.constant 112 : index
      %get3A_278 = tpu.vector_load %arg8[%get3A_276, %get3A_277] {strides = array<i32>} : memref<128x128xf32, #tpu.memory_space<vmem>>, vector<1x16xf32>,
      %get3A_279 = vector.shape_cast %get3A_278 : vector<1x16xf32> to vector<16xf32>
      %mul3A_280 = arith.constant 11.3137083 : f32
      %mul3A_281 = vector.broadcast %mul3A_280 : f32 to vector<16xf32>
      %mul3A_282 = arith.mulf %get3A_279, %mul3A_281 : vector<16xf32>
      %get3A_283 = arith.index_cast %scan3A_158 : i32 to index
      %get3A_284 = arith.constant 112 : index
      %get3A_285 = tpu.vector_load %arg10[%get3A_283, %get3A_284] {strides = array<i32>} : memref<128x128xf32, #tpu.memory_space<vmem>>, vector<1x16xf32>,
      %get3A_286 = vector.shape_cast %get3A_285 : vector<1x16xf32> to vector<16xf32>
      %add3A_287 = arith.addf %mul3A_282, %get3A_286 : vector<16xf32>
      %swap3A_288 = arith.index_cast %scan3A_158 : i32 to index
      %swap3A_289 = arith.constant 112 : index
      %swap3A_290 = tpu.vector_load %arg12[%swap3A_288, %swap3A_289] {strides = array<i32>} : memref<128x128xf32, #tpu.memory_space<vmem>>, vector<1x16xf32>,
      %swap3A_291 = vector.shape_cast %swap3A_290 : vector<1x16xf32> to vector<16xf32>
      %swap3A_292 = vector.shape_cast %add3A_287 : vector<16xf32> to vector<1x16xf32>
      tpu.vector_store %arg12[%swap3A_288, %swap3A_289], %swap3A_292 {strides = array<i32>} : memref<128x128xf32, #tpu.memory_space<vmem>>, vector<1x16xf32>,
    }
    %scan3A_76 = arith.constant 128 : i32
    %add3A_77 = arith.constant 128 : i32
    %add3A_78 = arith.addi %mul3A_2, %add3A_77 : i32
    %dma_start3A_79 = arith.constant 0 : i32
    %dma_start3A_80 = tpu.memref_slice %arg5[%add3A_78, %dma_start3A_79] : memref<16384x128xf32, #tpu.memory_space<hbm>> -> memref<128x128xf32, #tpu.memory_space<hbm>>
    %dma_start3A_81 = arith.constant 0 : i32
    %dma_start3A_82 = tpu.memref_slice %arg5[%add3A_78, %dma_start3A_81] : memref<16384x128xf32, #tpu.memory_space<hbm>> -> memref<128x128xf32, #tpu.memory_space<hbm>>
    tpu.enqueue_dma source(%arg12 : memref<128x128xf32, #tpu.memory_space<vmem>>) target(%dma_start3A_82 : memref<128x128xf32, #tpu.memory_space<hbm>>) target_semaphore(%arg16 : memref<!tpu.dma_semaphore, #tpu.memory_space<semaphore_mem>>)
    %dma_start3A_83 = arith.constant 3 : i32
    %dma_start3A_84 = arith.constant 0 : i32
    %dma_start3A_85 = tpu.memref_slice %arg6[%dma_start3A_83, %dma_start3A_84] : memref<4x128xi32, #tpu.memory_space<vmem>> -> memref<1x128xi32, #tpu.memory_space<vmem>>
    %dma_start3A_86 = tpu.memref_squeeze %dma_start3A_85 : memref<1x128xi32, #tpu.memory_space<vmem>> -> memref<128xi32, #tpu.memory_space<vmem>>
    %dma_start3A_87 = arith.constant 0 : i32
    %dma_start3A_88 = arith.constant 0 : i32
    %dma_start3A_89 = tpu.memref_slice %arg4[%dma_start3A_87, %dma_start3A_88] : memref<1000x128xf32, #tpu.memory_space<hbm>> -> memref<1000x128xf32, #tpu.memory_space<hbm>>
    tpu.enqueue_indirect_dma source(%dma_start3A_89 : memref<1000x128xf32, #tpu.memory_space<hbm>>) target(%arg10 : memref<128x128xf32, #tpu.memory_space<vmem>>) offsets(%dma_start3A_86 : memref<128xi32, #tpu.memory_space<vmem>>) semaphore(%arg14 : memref<!tpu.dma_semaphore, #tpu.memory_space<semaphore_mem>>)
    %add3A_90 = arith.constant 384 : i32
    %add3A_91 = arith.addi %mul3A_2, %add3A_90 : i32
    %dma_start3A_92 = arith.constant 0 : i32
    %dma_start3A_93 = tpu.memref_slice %arg2[%add3A_91, %dma_start3A_92] : memref<16384x128xf32, #tpu.memory_space<hbm>> -> memref<128x128xf32, #tpu.memory_space<hbm>>
    %dma_start3A_94 = arith.constant 0 : i32
    %dma_start3A_95 = tpu.memref_slice %arg2[%add3A_91, %dma_start3A_94] : memref<16384x128xf32, #tpu.memory_space<hbm>> -> memref<128x128xf32, #tpu.memory_space<hbm>>
    tpu.enqueue_dma source(%dma_start3A_95 : memref<128x128xf32, #tpu.memory_space<hbm>>) target(%arg8 : memref<128x128xf32, #tpu.memory_space<vmem>>) target_semaphore(%arg14 : memref<!tpu.dma_semaphore, #tpu.memory_space<semaphore_mem>>)
    %dma_wait3A_96 = arith.constant 2 : i32
    %dma_wait3A_97 = arith.constant 0 : i32
    %dma_wait3A_98 = tpu.memref_slice %arg6[%dma_wait3A_96, %dma_wait3A_97] : memref<4x128xi32, #tpu.memory_space<vmem>> -> memref<1x128xi32, #tpu.memory_space<vmem>>
    %dma_wait3A_99 = tpu.memref_squeeze %dma_wait3A_98 : memref<1x128xi32, #tpu.memory_space<vmem>> -> memref<128xi32, #tpu.memory_space<vmem>>
    %dma_wait3A_100 = arith.constant 0 : i32
    %dma_wait3A_101 = arith.constant 0 : i32
    %dma_wait3A_102 = tpu.memref_slice %arg4[%dma_wait3A_100, %dma_wait3A_101] : memref<1000x128xf32, #tpu.memory_space<hbm>> -> memref<1000x128xf32, #tpu.memory_space<hbm>>
    tpu.wait_indirect_dma semaphore(%arg13 : memref<!tpu.dma_semaphore, #tpu.memory_space<semaphore_mem>>) src(%dma_wait3A_102 : memref<1000x128xf32, #tpu.memory_space<hbm>>) dst(%arg9 : memref<128x128xf32, #tpu.memory_space<vmem>>)
    %dma_wait3A_103 = arith.constant 0 : i32
    %dma_wait3A_104 = tpu.memref_slice %arg2[%add3A_55, %dma_wait3A_103] : memref<16384x128xf32, #tpu.memory_space<hbm>> -> memref<128x128xf32, #tpu.memory_space<hbm>>
    %dma_wait3A_105 = arith.constant 0 : i32
    %dma_wait3A_106 = tpu.memref_slice %arg2[%add3A_55, %dma_wait3A_105] : memref<16384x128xf32, #tpu.memory_space<hbm>> -> memref<128x128xf32, #tpu.memory_space<hbm>>
    tpu.wait_dma2 semaphore(%arg13 : memref<!tpu.dma_semaphore, #tpu.memory_space<semaphore_mem>>) src(%dma_wait3A_106 : memref<128x128xf32, #tpu.memory_space<hbm>>) dst(%arg7 : memref<128x128xf32, #tpu.memory_space<vmem>>)
    %dma_wait3A_107 = arith.constant 0 : i32
    %dma_wait3A_108 = tpu.memref_slice %arg5[%add3A_42, %dma_wait3A_107] : memref<16384x128xf32, #tpu.memory_space<hbm>> -> memref<128x128xf32, #tpu.memory_space<hbm>>
    %dma_wait3A_109 = arith.constant 0 : i32
    %dma_wait3A_110 = tpu.memref_slice %arg5[%add3A_42, %dma_wait3A_109] : memref<16384x128xf32, #tpu.memory_space<hbm>> -> memref<128x128xf32, #tpu.memory_space<hbm>>
    tpu.wait_dma2 semaphore(%arg15 : memref<!tpu.dma_semaphore, #tpu.memory_space<semaphore_mem>>) src(%arg11 : memref<128x128xf32, #tpu.memory_space<vmem>>) dst(%dma_wait3A_110 : memref<128x128xf32, #tpu.memory_space<hbm>>)
    %scan3A_111 = arith.constant 0 : i32
    %scan3A_112 = arith.constant 0 : i32
    %scan3A_113 = arith.constant 128 : i32
    %scan3A_114 = arith.addi %scan3A_112, %scan3A_113 : i32
    %scan3A_115 = arith.constant 1 : i32
    scf.for %scan3A_158 = %scan3A_112 to %scan3A_114 step %scan3A_115  : i32 {
      %get3A = arith.index_cast %scan3A_158 : i32 to index
      %get3A_159 = arith.constant 0 : index
      %get3A_160 = tpu.vector_load %arg7[%get3A, %get3A_159] {strides = array<i32>} : memref<128x128xf32, #tpu.memory_space<vmem>>, vector<1x16xf32>,
      %get3A_161 = vector.shape_cast %get3A_160 : vector<1x16xf32> to vector<16xf32>
      %mul3A_162 = arith.constant 11.3137083 : f32
      %mul3A_163 = vector.broadcast %mul3A_162 : f32 to vector<16xf32>
      %mul3A_164 = arith.mulf %get3A_161, %mul3A_163 : vector<16xf32>
      %get3A_165 = arith.index_cast %scan3A_158 : i32 to index
      %get3A_166 = arith.constant 0 : index
      %get3A_167 = tpu.vector_load %arg9[%get3A_165, %get3A_166] {strides = array<i32>} : memref<128x128xf32, #tpu.memory_space<vmem>>, vector<1x16xf32>,
      %get3A_168 = vector.shape_cast %get3A_167 : vector<1x16xf32> to vector<16xf32>
      %add3A_169 = arith.addf %mul3A_164, %get3A_168 : vector<16xf32>
      %swap3A = arith.index_cast %scan3A_158 : i32 to index
      %swap3A_170 = arith.constant 0 : index
      %swap3A_171 = tpu.vector_load %arg11[%swap3A, %swap3A_170] {strides = array<i32>} : memref<128x128xf32, #tpu.memory_space<vmem>>, vector<1x16xf32>,
      %swap3A_172 = vector.shape_cast %swap3A_171 : vector<1x16xf32> to vector<16xf32>
      %swap3A_173 = vector.shape_cast %add3A_169 : vector<16xf32> to vector<1x16xf32>
      tpu.vector_store %arg11[%swap3A, %swap3A_170], %swap3A_173 {strides = array<i32>} : memref<128x128xf32, #tpu.memory_space<vmem>>, vector<1x16xf32>,
      %get3A_174 = arith.index_cast %scan3A_158 : i32 to index
      %get3A_175 = arith.constant 16 : index
      %get3A_176 = tpu.vector_load %arg7[%get3A_174, %get3A_175] {strides = array<i32>} : memref<128x128xf32, #tpu.memory_space<vmem>>, vector<1x16xf32>,
      %get3A_177 = vector.shape_cast %get3A_176 : vector<1x16xf32> to vector<16xf32>
      %mul3A_178 = arith.constant 11.3137083 : f32
      %mul3A_179 = vector.broadcast %mul3A_178 : f32 to vector<16xf32>
      %mul3A_180 = arith.mulf %get3A_177, %mul3A_179 : vector<16xf32>
      %get3A_181 = arith.index_cast %scan3A_158 : i32 to index
      %get3A_182 = arith.constant 16 : index
      %get3A_183 = tpu.vector_load %arg9[%get3A_181, %get3A_182] {strides = array<i32>} : memref<128x128xf32, #tpu.memory_space<vmem>>, vector<1x16xf32>,
      %get3A_184 = vector.shape_cast %get3A_183 : vector<1x16xf32> to vector<16xf32>
      %add3A_185 = arith.addf %mul3A_180, %get3A_184 : vector<16xf32>
      %swap3A_186 = arith.index_cast %scan3A_158 : i32 to index
      %swap3A_187 = arith.constant 16 : index
      %swap3A_188 = tpu.vector_load %arg11[%swap3A_186, %swap3A_187] {strides = array<i32>} : memref<128x128xf32, #tpu.memory_space<vmem>>, vector<1x16xf32>,
      %swap3A_189 = vector.shape_cast %swap3A_188 : vector<1x16xf32> to vector<16xf32>
      %swap3A_190 = vector.shape_cast %add3A_185 : vector<16xf32> to vector<1x16xf32>
      tpu.vector_store %arg11[%swap3A_186, %swap3A_187], %swap3A_190 {strides = array<i32>} : memref<128x128xf32, #tpu.memory_space<vmem>>, vector<1x16xf32>,
      %get3A_191 = arith.index_cast %scan3A_158 : i32 to index
      %get3A_192 = arith.constant 32 : index
      %get3A_193 = tpu.vector_load %arg7[%get3A_191, %get3A_192] {strides = array<i32>} : memref<128x128xf32, #tpu.memory_space<vmem>>, vector<1x16xf32>,
      %get3A_194 = vector.shape_cast %get3A_193 : vector<1x16xf32> to vector<16xf32>
      %mul3A_195 = arith.constant 11.3137083 : f32
      %mul3A_196 = vector.broadcast %mul3A_195 : f32 to vector<16xf32>
      %mul3A_197 = arith.mulf %get3A_194, %mul3A_196 : vector<16xf32>
      %get3A_198 = arith.index_cast %scan3A_158 : i32 to index
      %get3A_199 = arith.constant 32 : index
      %get3A_200 = tpu.vector_load %arg9[%get3A_198, %get3A_199] {strides = array<i32>} : memref<128x128xf32, #tpu.memory_space<vmem>>, vector<1x16xf32>,
      %get3A_201 = vector.shape_cast %get3A_200 : vector<1x16xf32> to vector<16xf32>
      %add3A_202 = arith.addf %mul3A_197, %get3A_201 : vector<16xf32>
      %swap3A_203 = arith.index_cast %scan3A_158 : i32 to index
      %swap3A_204 = arith.constant 32 : index
      %swap3A_205 = tpu.vector_load %arg11[%swap3A_203, %swap3A_204] {strides = array<i32>} : memref<128x128xf32, #tpu.memory_space<vmem>>, vector<1x16xf32>,
      %swap3A_206 = vector.shape_cast %swap3A_205 : vector<1x16xf32> to vector<16xf32>
      %swap3A_207 = vector.shape_cast %add3A_202 : vector<16xf32> to vector<1x16xf32>
      tpu.vector_store %arg11[%swap3A_203, %swap3A_204], %swap3A_207 {strides = array<i32>} : memref<128x128xf32, #tpu.memory_space<vmem>>, vector<1x16xf32>,
      %get3A_208 = arith.index_cast %scan3A_158 : i32 to index
      %get3A_209 = arith.constant 48 : index
      %get3A_210 = tpu.vector_load %arg7[%get3A_208, %get3A_209] {strides = array<i32>} : memref<128x128xf32, #tpu.memory_space<vmem>>, vector<1x16xf32>,
      %get3A_211 = vector.shape_cast %get3A_210 : vector<1x16xf32> to vector<16xf32>
      %mul3A_212 = arith.constant 11.3137083 : f32
      %mul3A_213 = vector.broadcast %mul3A_212 : f32 to vector<16xf32>
      %mul3A_214 = arith.mulf %get3A_211, %mul3A_213 : vector<16xf32>
      %get3A_215 = arith.index_cast %scan3A_158 : i32 to index
      %get3A_216 = arith.constant 48 : index
      %get3A_217 = tpu.vector_load %arg9[%get3A_215, %get3A_216] {strides = array<i32>} : memref<128x128xf32, #tpu.memory_space<vmem>>, vector<1x16xf32>,
      %get3A_218 = vector.shape_cast %get3A_217 : vector<1x16xf32> to vector<16xf32>
      %add3A_219 = arith.addf %mul3A_214, %get3A_218 : vector<16xf32>
      %swap3A_220 = arith.index_cast %scan3A_158 : i32 to index
      %swap3A_221 = arith.constant 48 : index
      %swap3A_222 = tpu.vector_load %arg11[%swap3A_220, %swap3A_221] {strides = array<i32>} : memref<128x128xf32, #tpu.memory_space<vmem>>, vector<1x16xf32>,
      %swap3A_223 = vector.shape_cast %swap3A_222 : vector<1x16xf32> to vector<16xf32>
      %swap3A_224 = vector.shape_cast %add3A_219 : vector<16xf32> to vector<1x16xf32>
      tpu.vector_store %arg11[%swap3A_220, %swap3A_221], %swap3A_224 {strides = array<i32>} : memref<128x128xf32, #tpu.memory_space<vmem>>, vector<1x16xf32>,
      %get3A_225 = arith.index_cast %scan3A_158 : i32 to index
      %get3A_226 = arith.constant 64 : index
      %get3A_227 = tpu.vector_load %arg7[%get3A_225, %get3A_226] {strides = array<i32>} : memref<128x128xf32, #tpu.memory_space<vmem>>, vector<1x16xf32>,
      %get3A_228 = vector.shape_cast %get3A_227 : vector<1x16xf32> to vector<16xf32>
      %mul3A_229 = arith.constant 11.3137083 : f32
      %mul3A_230 = vector.broadcast %mul3A_229 : f32 to vector<16xf32>
      %mul3A_231 = arith.mulf %get3A_228, %mul3A_230 : vector<16xf32>
      %get3A_232 = arith.index_cast %scan3A_158 : i32 to index
      %get3A_233 = arith.constant 64 : index
      %get3A_234 = tpu.vector_load %arg9[%get3A_232, %get3A_233] {strides = array<i32>} : memref<128x128xf32, #tpu.memory_space<vmem>>, vector<1x16xf32>,
      %get3A_235 = vector.shape_cast %get3A_234 : vector<1x16xf32> to vector<16xf32>
      %add3A_236 = arith.addf %mul3A_231, %get3A_235 : vector<16xf32>
      %swap3A_237 = arith.index_cast %scan3A_158 : i32 to index
      %swap3A_238 = arith.constant 64 : index
      %swap3A_239 = tpu.vector_load %arg11[%swap3A_237, %swap3A_238] {strides = array<i32>} : memref<128x128xf32, #tpu.memory_space<vmem>>, vector<1x16xf32>,
      %swap3A_240 = vector.shape_cast %swap3A_239 : vector<1x16xf32> to vector<16xf32>
      %swap3A_241 = vector.shape_cast %add3A_236 : vector<16xf32> to vector<1x16xf32>
      tpu.vector_store %arg11[%swap3A_237, %swap3A_238], %swap3A_241 {strides = array<i32>} : memref<128x128xf32, #tpu.memory_space<vmem>>, vector<1x16xf32>,
      %get3A_242 = arith.index_cast %scan3A_158 : i32 to index
      %get3A_243 = arith.constant 80 : index
      %get3A_244 = tpu.vector_load %arg7[%get3A_242, %get3A_243] {strides = array<i32>} : memref<128x128xf32, #tpu.memory_space<vmem>>, vector<1x16xf32>,
      %get3A_245 = vector.shape_cast %get3A_244 : vector<1x16xf32> to vector<16xf32>
      %mul3A_246 = arith.constant 11.3137083 : f32
      %mul3A_247 = vector.broadcast %mul3A_246 : f32 to vector<16xf32>
      %mul3A_248 = arith.mulf %get3A_245, %mul3A_247 : vector<16xf32>
      %get3A_249 = arith.index_cast %scan3A_158 : i32 to index
      %get3A_250 = arith.constant 80 : index
      %get3A_251 = tpu.vector_load %arg9[%get3A_249, %get3A_250] {strides = array<i32>} : memref<128x128xf32, #tpu.memory_space<vmem>>, vector<1x16xf32>,
      %get3A_252 = vector.shape_cast %get3A_251 : vector<1x16xf32> to vector<16xf32>
      %add3A_253 = arith.addf %mul3A_248, %get3A_252 : vector<16xf32>
      %swap3A_254 = arith.index_cast %scan3A_158 : i32 to index
      %swap3A_255 = arith.constant 80 : index
      %swap3A_256 = tpu.vector_load %arg11[%swap3A_254, %swap3A_255] {strides = array<i32>} : memref<128x128xf32, #tpu.memory_space<vmem>>, vector<1x16xf32>,
      %swap3A_257 = vector.shape_cast %swap3A_256 : vector<1x16xf32> to vector<16xf32>
      %swap3A_258 = vector.shape_cast %add3A_253 : vector<16xf32> to vector<1x16xf32>
      tpu.vector_store %arg11[%swap3A_254, %swap3A_255], %swap3A_258 {strides = array<i32>} : memref<128x128xf32, #tpu.memory_space<vmem>>, vector<1x16xf32>,
      %get3A_259 = arith.index_cast %scan3A_158 : i32 to index
      %get3A_260 = arith.constant 96 : index
      %get3A_261 = tpu.vector_load %arg7[%get3A_259, %get3A_260] {strides = array<i32>} : memref<128x128xf32, #tpu.memory_space<vmem>>, vector<1x16xf32>,
      %get3A_262 = vector.shape_cast %get3A_261 : vector<1x16xf32> to vector<16xf32>
      %mul3A_263 = arith.constant 11.3137083 : f32
      %mul3A_264 = vector.broadcast %mul3A_263 : f32 to vector<16xf32>
      %mul3A_265 = arith.mulf %get3A_262, %mul3A_264 : vector<16xf32>
      %get3A_266 = arith.index_cast %scan3A_158 : i32 to index
      %get3A_267 = arith.constant 96 : index
      %get3A_268 = tpu.vector_load %arg9[%get3A_266, %get3A_267] {strides = array<i32>} : memref<128x128xf32, #tpu.memory_space<vmem>>, vector<1x16xf32>,
      %get3A_269 = vector.shape_cast %get3A_268 : vector<1x16xf32> to vector<16xf32>
      %add3A_270 = arith.addf %mul3A_265, %get3A_269 : vector<16xf32>
      %swap3A_271 = arith.index_cast %scan3A_158 : i32 to index
      %swap3A_272 = arith.constant 96 : index
      %swap3A_273 = tpu.vector_load %arg11[%swap3A_271, %swap3A_272] {strides = array<i32>} : memref<128x128xf32, #tpu.memory_space<vmem>>, vector<1x16xf32>,
      %swap3A_274 = vector.shape_cast %swap3A_273 : vector<1x16xf32> to vector<16xf32>
      %swap3A_275 = vector.shape_cast %add3A_270 : vector<16xf32> to vector<1x16xf32>
      tpu.vector_store %arg11[%swap3A_271, %swap3A_272], %swap3A_275 {strides = array<i32>} : memref<128x128xf32, #tpu.memory_space<vmem>>, vector<1x16xf32>,
      %get3A_276 = arith.index_cast %scan3A_158 : i32 to index
      %get3A_277 = arith.constant 112 : index
      %get3A_278 = tpu.vector_load %arg7[%get3A_276, %get3A_277] {strides = array<i32>} : memref<128x128xf32, #tpu.memory_space<vmem>>, vector<1x16xf32>,
      %get3A_279 = vector.shape_cast %get3A_278 : vector<1x16xf32> to vector<16xf32>
      %mul3A_280 = arith.constant 11.3137083 : f32
      %mul3A_281 = vector.broadcast %mul3A_280 : f32 to vector<16xf32>
      %mul3A_282 = arith.mulf %get3A_279, %mul3A_281 : vector<16xf32>
      %get3A_283 = arith.index_cast %scan3A_158 : i32 to index
      %get3A_284 = arith.constant 112 : index
      %get3A_285 = tpu.vector_load %arg9[%get3A_283, %get3A_284] {strides = array<i32>} : memref<128x128xf32, #tpu.memory_space<vmem>>, vector<1x16xf32>,
      %get3A_286 = vector.shape_cast %get3A_285 : vector<1x16xf32> to vector<16xf32>
      %add3A_287 = arith.addf %mul3A_282, %get3A_286 : vector<16xf32>
      %swap3A_288 = arith.index_cast %scan3A_158 : i32 to index
      %swap3A_289 = arith.constant 112 : index
      %swap3A_290 = tpu.vector_load %arg11[%swap3A_288, %swap3A_289] {strides = array<i32>} : memref<128x128xf32, #tpu.memory_space<vmem>>, vector<1x16xf32>,
      %swap3A_291 = vector.shape_cast %swap3A_290 : vector<1x16xf32> to vector<16xf32>
      %swap3A_292 = vector.shape_cast %add3A_287 : vector<16xf32> to vector<1x16xf32>
      tpu.vector_store %arg11[%swap3A_288, %swap3A_289], %swap3A_292 {strides = array<i32>} : memref<128x128xf32, #tpu.memory_space<vmem>>, vector<1x16xf32>,
    }
    %scan3A_116 = arith.constant 128 : i32
    %add3A_117 = arith.constant 256 : i32
    %add3A_118 = arith.addi %mul3A_2, %add3A_117 : i32
    %dma_start3A_119 = arith.constant 0 : i32
    %dma_start3A_120 = tpu.memref_slice %arg5[%add3A_118, %dma_start3A_119] : memref<16384x128xf32, #tpu.memory_space<hbm>> -> memref<128x128xf32, #tpu.memory_space<hbm>>
    %dma_start3A_121 = arith.constant 0 : i32
    %dma_start3A_122 = tpu.memref_slice %arg5[%add3A_118, %dma_start3A_121] : memref<16384x128xf32, #tpu.memory_space<hbm>> -> memref<128x128xf32, #tpu.memory_space<hbm>>
    tpu.enqueue_dma source(%arg11 : memref<128x128xf32, #tpu.memory_space<vmem>>) target(%dma_start3A_122 : memref<128x128xf32, #tpu.memory_space<hbm>>) target_semaphore(%arg15 : memref<!tpu.dma_semaphore, #tpu.memory_space<semaphore_mem>>)
    %dma_wait3A_123 = arith.constant 3 : i32
    %dma_wait3A_124 = arith.constant 0 : i32
    %dma_wait3A_125 = tpu.memref_slice %arg6[%dma_wait3A_123, %dma_wait3A_124] : memref<4x128xi32, #tpu.memory_space<vmem>> -> memref<1x128xi32, #tpu.memory_space<vmem>>
    %dma_wait3A_126 = tpu.memref_squeeze %dma_wait3A_125 : memref<1x128xi32, #tpu.memory_space<vmem>> -> memref<128xi32, #tpu.memory_space<vmem>>
    %dma_wait3A_127 = arith.constant 0 : i32
    %dma_wait3A_128 = arith.constant 0 : i32
    %dma_wait3A_129 = tpu.memref_slice %arg4[%dma_wait3A_127, %dma_wait3A_128] : memref<1000x128xf32, #tpu.memory_space<hbm>> -> memref<1000x128xf32, #tpu.memory_space<hbm>>
    tpu.wait_indirect_dma semaphore(%arg14 : memref<!tpu.dma_semaphore, #tpu.memory_space<semaphore_mem>>) src(%dma_wait3A_129 : memref<1000x128xf32, #tpu.memory_space<hbm>>) dst(%arg10 : memref<128x128xf32, #tpu.memory_space<vmem>>)
    %dma_wait3A_130 = arith.constant 0 : i32
    %dma_wait3A_131 = tpu.memref_slice %arg2[%add3A_91, %dma_wait3A_130] : memref<16384x128xf32, #tpu.memory_space<hbm>> -> memref<128x128xf32, #tpu.memory_space<hbm>>
    %dma_wait3A_132 = arith.constant 0 : i32
    %dma_wait3A_133 = tpu.memref_slice %arg2[%add3A_91, %dma_wait3A_132] : memref<16384x128xf32, #tpu.memory_space<hbm>> -> memref<128x128xf32, #tpu.memory_space<hbm>>
    tpu.wait_dma2 semaphore(%arg14 : memref<!tpu.dma_semaphore, #tpu.memory_space<semaphore_mem>>) src(%dma_wait3A_133 : memref<128x128xf32, #tpu.memory_space<hbm>>) dst(%arg8 : memref<128x128xf32, #tpu.memory_space<vmem>>)
    %dma_wait3A_134 = arith.constant 0 : i32
    %dma_wait3A_135 = tpu.memref_slice %arg5[%add3A_78, %dma_wait3A_134] : memref<16384x128xf32, #tpu.memory_space<hbm>> -> memref<128x128xf32, #tpu.memory_space<hbm>>
    %dma_wait3A_136 = arith.constant 0 : i32
    %dma_wait3A_137 = tpu.memref_slice %arg5[%add3A_78, %dma_wait3A_136] : memref<16384x128xf32, #tpu.memory_space<hbm>> -> memref<128x128xf32, #tpu.memory_space<hbm>>
    tpu.wait_dma2 semaphore(%arg16 : memref<!tpu.dma_semaphore, #tpu.memory_space<semaphore_mem>>) src(%arg12 : memref<128x128xf32, #tpu.memory_space<vmem>>) dst(%dma_wait3A_137 : memref<128x128xf32, #tpu.memory_space<hbm>>)
    %scan3A_138 = arith.constant 0 : i32
    %scan3A_139 = arith.constant 0 : i32
    %scan3A_140 = arith.constant 128 : i32
    %scan3A_141 = arith.addi %scan3A_139, %scan3A_140 : i32
    %scan3A_142 = arith.constant 1 : i32
    scf.for %scan3A_158 = %scan3A_139 to %scan3A_141 step %scan3A_142  : i32 {
      %get3A = arith.index_cast %scan3A_158 : i32 to index
      %get3A_159 = arith.constant 0 : index
      %get3A_160 = tpu.vector_load %arg8[%get3A, %get3A_159] {strides = array<i32>} : memref<128x128xf32, #tpu.memory_space<vmem>>, vector<1x16xf32>,
      %get3A_161 = vector.shape_cast %get3A_160 : vector<1x16xf32> to vector<16xf32>
      %mul3A_162 = arith.constant 11.3137083 : f32
      %mul3A_163 = vector.broadcast %mul3A_162 : f32 to vector<16xf32>
      %mul3A_164 = arith.mulf %get3A_161, %mul3A_163 : vector<16xf32>
      %get3A_165 = arith.index_cast %scan3A_158 : i32 to index
      %get3A_166 = arith.constant 0 : index
      %get3A_167 = tpu.vector_load %arg10[%get3A_165, %get3A_166] {strides = array<i32>} : memref<128x128xf32, #tpu.memory_space<vmem>>, vector<1x16xf32>,
      %get3A_168 = vector.shape_cast %get3A_167 : vector<1x16xf32> to vector<16xf32>
      %add3A_169 = arith.addf %mul3A_164, %get3A_168 : vector<16xf32>
      %swap3A = arith.index_cast %scan3A_158 : i32 to index
      %swap3A_170 = arith.constant 0 : index
      %swap3A_171 = tpu.vector_load %arg12[%swap3A, %swap3A_170] {strides = array<i32>} : memref<128x128xf32, #tpu.memory_space<vmem>>, vector<1x16xf32>,
      %swap3A_172 = vector.shape_cast %swap3A_171 : vector<1x16xf32> to vector<16xf32>
      %swap3A_173 = vector.shape_cast %add3A_169 : vector<16xf32> to vector<1x16xf32>
      tpu.vector_store %arg12[%swap3A, %swap3A_170], %swap3A_173 {strides = array<i32>} : memref<128x128xf32, #tpu.memory_space<vmem>>, vector<1x16xf32>,
      %get3A_174 = arith.index_cast %scan3A_158 : i32 to index
      %get3A_175 = arith.constant 16 : index
      %get3A_176 = tpu.vector_load %arg8[%get3A_174, %get3A_175] {strides = array<i32>} : memref<128x128xf32, #tpu.memory_space<vmem>>, vector<1x16xf32>,
      %get3A_177 = vector.shape_cast %get3A_176 : vector<1x16xf32> to vector<16xf32>
      %mul3A_178 = arith.constant 11.3137083 : f32
      %mul3A_179 = vector.broadcast %mul3A_178 : f32 to vector<16xf32>
      %mul3A_180 = arith.mulf %get3A_177, %mul3A_179 : vector<16xf32>
      %get3A_181 = arith.index_cast %scan3A_158 : i32 to index
      %get3A_182 = arith.constant 16 : index
      %get3A_183 = tpu.vector_load %arg10[%get3A_181, %get3A_182] {strides = array<i32>} : memref<128x128xf32, #tpu.memory_space<vmem>>, vector<1x16xf32>,
      %get3A_184 = vector.shape_cast %get3A_183 : vector<1x16xf32> to vector<16xf32>
      %add3A_185 = arith.addf %mul3A_180, %get3A_184 : vector<16xf32>
      %swap3A_186 = arith.index_cast %scan3A_158 : i32 to index
      %swap3A_187 = arith.constant 16 : index
      %swap3A_188 = tpu.vector_load %arg12[%swap3A_186, %swap3A_187] {strides = array<i32>} : memref<128x128xf32, #tpu.memory_space<vmem>>, vector<1x16xf32>,
      %swap3A_189 = vector.shape_cast %swap3A_188 : vector<1x16xf32> to vector<16xf32>
      %swap3A_190 = vector.shape_cast %add3A_185 : vector<16xf32> to vector<1x16xf32>
      tpu.vector_store %arg12[%swap3A_186, %swap3A_187], %swap3A_190 {strides = array<i32>} : memref<128x128xf32, #tpu.memory_space<vmem>>, vector<1x16xf32>,
      %get3A_191 = arith.index_cast %scan3A_158 : i32 to index
      %get3A_192 = arith.constant 32 : index
      %get3A_193 = tpu.vector_load %arg8[%get3A_191, %get3A_192] {strides = array<i32>} : memref<128x128xf32, #tpu.memory_space<vmem>>, vector<1x16xf32>,
      %get3A_194 = vector.shape_cast %get3A_193 : vector<1x16xf32> to vector<16xf32>
      %mul3A_195 = arith.constant 11.3137083 : f32
      %mul3A_196 = vector.broadcast %mul3A_195 : f32 to vector<16xf32>
      %mul3A_197 = arith.mulf %get3A_194, %mul3A_196 : vector<16xf32>
      %get3A_198 = arith.index_cast %scan3A_158 : i32 to index
      %get3A_199 = arith.constant 32 : index
      %get3A_200 = tpu.vector_load %arg10[%get3A_198, %get3A_199] {strides = array<i32>} : memref<128x128xf32, #tpu.memory_space<vmem>>, vector<1x16xf32>,
      %get3A_201 = vector.shape_cast %get3A_200 : vector<1x16xf32> to vector<16xf32>
      %add3A_202 = arith.addf %mul3A_197, %get3A_201 : vector<16xf32>
      %swap3A_203 = arith.index_cast %scan3A_158 : i32 to index
      %swap3A_204 = arith.constant 32 : index
      %swap3A_205 = tpu.vector_load %arg12[%swap3A_203, %swap3A_204] {strides = array<i32>} : memref<128x128xf32, #tpu.memory_space<vmem>>, vector<1x16xf32>,
      %swap3A_206 = vector.shape_cast %swap3A_205 : vector<1x16xf32> to vector<16xf32>
      %swap3A_207 = vector.shape_cast %add3A_202 : vector<16xf32> to vector<1x16xf32>
      tpu.vector_store %arg12[%swap3A_203, %swap3A_204], %swap3A_207 {strides = array<i32>} : memref<128x128xf32, #tpu.memory_space<vmem>>, vector<1x16xf32>,
      %get3A_208 = arith.index_cast %scan3A_158 : i32 to index
      %get3A_209 = arith.constant 48 : index
      %get3A_210 = tpu.vector_load %arg8[%get3A_208, %get3A_209] {strides = array<i32>} : memref<128x128xf32, #tpu.memory_space<vmem>>, vector<1x16xf32>,
      %get3A_211 = vector.shape_cast %get3A_210 : vector<1x16xf32> to vector<16xf32>
      %mul3A_212 = arith.constant 11.3137083 : f32
      %mul3A_213 = vector.broadcast %mul3A_212 : f32 to vector<16xf32>
      %mul3A_214 = arith.mulf %get3A_211, %mul3A_213 : vector<16xf32>
      %get3A_215 = arith.index_cast %scan3A_158 : i32 to index
      %get3A_216 = arith.constant 48 : index
      %get3A_217 = tpu.vector_load %arg10[%get3A_215, %get3A_216] {strides = array<i32>} : memref<128x128xf32, #tpu.memory_space<vmem>>, vector<1x16xf32>,
      %get3A_218 = vector.shape_cast %get3A_217 : vector<1x16xf32> to vector<16xf32>
      %add3A_219 = arith.addf %mul3A_214, %get3A_218 : vector<16xf32>
      %swap3A_220 = arith.index_cast %scan3A_158 : i32 to index
      %swap3A_221 = arith.constant 48 : index
      %swap3A_222 = tpu.vector_load %arg12[%swap3A_220, %swap3A_221] {strides = array<i32>} : memref<128x128xf32, #tpu.memory_space<vmem>>, vector<1x16xf32>,
      %swap3A_223 = vector.shape_cast %swap3A_222 : vector<1x16xf32> to vector<16xf32>
      %swap3A_224 = vector.shape_cast %add3A_219 : vector<16xf32> to vector<1x16xf32>
      tpu.vector_store %arg12[%swap3A_220, %swap3A_221], %swap3A_224 {strides = array<i32>} : memref<128x128xf32, #tpu.memory_space<vmem>>, vector<1x16xf32>,
      %get3A_225 = arith.index_cast %scan3A_158 : i32 to index
      %get3A_226 = arith.constant 64 : index
      %get3A_227 = tpu.vector_load %arg8[%get3A_225, %get3A_226] {strides = array<i32>} : memref<128x128xf32, #tpu.memory_space<vmem>>, vector<1x16xf32>,
      %get3A_228 = vector.shape_cast %get3A_227 : vector<1x16xf32> to vector<16xf32>
      %mul3A_229 = arith.constant 11.3137083 : f32
      %mul3A_230 = vector.broadcast %mul3A_229 : f32 to vector<16xf32>
      %mul3A_231 = arith.mulf %get3A_228, %mul3A_230 : vector<16xf32>
      %get3A_232 = arith.index_cast %scan3A_158 : i32 to index
      %get3A_233 = arith.constant 64 : index
      %get3A_234 = tpu.vector_load %arg10[%get3A_232, %get3A_233] {strides = array<i32>} : memref<128x128xf32, #tpu.memory_space<vmem>>, vector<1x16xf32>,
      %get3A_235 = vector.shape_cast %get3A_234 : vector<1x16xf32> to vector<16xf32>
      %add3A_236 = arith.addf %mul3A_231, %get3A_235 : vector<16xf32>
      %swap3A_237 = arith.index_cast %scan3A_158 : i32 to index
      %swap3A_238 = arith.constant 64 : index
      %swap3A_239 = tpu.vector_load %arg12[%swap3A_237, %swap3A_238] {strides = array<i32>} : memref<128x128xf32, #tpu.memory_space<vmem>>, vector<1x16xf32>,
      %swap3A_240 = vector.shape_cast %swap3A_239 : vector<1x16xf32> to vector<16xf32>
      %swap3A_241 = vector.shape_cast %add3A_236 : vector<16xf32> to vector<1x16xf32>
      tpu.vector_store %arg12[%swap3A_237, %swap3A_238], %swap3A_241 {strides = array<i32>} : memref<128x128xf32, #tpu.memory_space<vmem>>, vector<1x16xf32>,
      %get3A_242 = arith.index_cast %scan3A_158 : i32 to index
      %get3A_243 = arith.constant 80 : index
      %get3A_244 = tpu.vector_load %arg8[%get3A_242, %get3A_243] {strides = array<i32>} : memref<128x128xf32, #tpu.memory_space<vmem>>, vector<1x16xf32>,
      %get3A_245 = vector.shape_cast %get3A_244 : vector<1x16xf32> to vector<16xf32>
      %mul3A_246 = arith.constant 11.3137083 : f32
      %mul3A_247 = vector.broadcast %mul3A_246 : f32 to vector<16xf32>
      %mul3A_248 = arith.mulf %get3A_245, %mul3A_247 : vector<16xf32>
      %get3A_249 = arith.index_cast %scan3A_158 : i32 to index
      %get3A_250 = arith.constant 80 : index
      %get3A_251 = tpu.vector_load %arg10[%get3A_249, %get3A_250] {strides = array<i32>} : memref<128x128xf32, #tpu.memory_space<vmem>>, vector<1x16xf32>,
      %get3A_252 = vector.shape_cast %get3A_251 : vector<1x16xf32> to vector<16xf32>
      %add3A_253 = arith.addf %mul3A_248, %get3A_252 : vector<16xf32>
      %swap3A_254 = arith.index_cast %scan3A_158 : i32 to index
      %swap3A_255 = arith.constant 80 : index
      %swap3A_256 = tpu.vector_load %arg12[%swap3A_254, %swap3A_255] {strides = array<i32>} : memref<128x128xf32, #tpu.memory_space<vmem>>, vector<1x16xf32>,
      %swap3A_257 = vector.shape_cast %swap3A_256 : vector<1x16xf32> to vector<16xf32>
      %swap3A_258 = vector.shape_cast %add3A_253 : vector<16xf32> to vector<1x16xf32>
      tpu.vector_store %arg12[%swap3A_254, %swap3A_255], %swap3A_258 {strides = array<i32>} : memref<128x128xf32, #tpu.memory_space<vmem>>, vector<1x16xf32>,
      %get3A_259 = arith.index_cast %scan3A_158 : i32 to index
      %get3A_260 = arith.constant 96 : index
      %get3A_261 = tpu.vector_load %arg8[%get3A_259, %get3A_260] {strides = array<i32>} : memref<128x128xf32, #tpu.memory_space<vmem>>, vector<1x16xf32>,
      %get3A_262 = vector.shape_cast %get3A_261 : vector<1x16xf32> to vector<16xf32>
      %mul3A_263 = arith.constant 11.3137083 : f32
      %mul3A_264 = vector.broadcast %mul3A_263 : f32 to vector<16xf32>
      %mul3A_265 = arith.mulf %get3A_262, %mul3A_264 : vector<16xf32>
      %get3A_266 = arith.index_cast %scan3A_158 : i32 to index
      %get3A_267 = arith.constant 96 : index
      %get3A_268 = tpu.vector_load %arg10[%get3A_266, %get3A_267] {strides = array<i32>} : memref<128x128xf32, #tpu.memory_space<vmem>>, vector<1x16xf32>,
      %get3A_269 = vector.shape_cast %get3A_268 : vector<1x16xf32> to vector<16xf32>
      %add3A_270 = arith.addf %mul3A_265, %get3A_269 : vector<16xf32>
      %swap3A_271 = arith.index_cast %scan3A_158 : i32 to index
      %swap3A_272 = arith.constant 96 : index
      %swap3A_273 = tpu.vector_load %arg12[%swap3A_271, %swap3A_272] {strides = array<i32>} : memref<128x128xf32, #tpu.memory_space<vmem>>, vector<1x16xf32>,
      %swap3A_274 = vector.shape_cast %swap3A_273 : vector<1x16xf32> to vector<16xf32>
      %swap3A_275 = vector.shape_cast %add3A_270 : vector<16xf32> to vector<1x16xf32>
      tpu.vector_store %arg12[%swap3A_271, %swap3A_272], %swap3A_275 {strides = array<i32>} : memref<128x128xf32, #tpu.memory_space<vmem>>, vector<1x16xf32>,
      %get3A_276 = arith.index_cast %scan3A_158 : i32 to index
      %get3A_277 = arith.constant 112 : index
      %get3A_278 = tpu.vector_load %arg8[%get3A_276, %get3A_277] {strides = array<i32>} : memref<128x128xf32, #tpu.memory_space<vmem>>, vector<1x16xf32>,
      %get3A_279 = vector.shape_cast %get3A_278 : vector<1x16xf32> to vector<16xf32>
      %mul3A_280 = arith.constant 11.3137083 : f32
      %mul3A_281 = vector.broadcast %mul3A_280 : f32 to vector<16xf32>
      %mul3A_282 = arith.mulf %get3A_279, %mul3A_281 : vector<16xf32>
      %get3A_283 = arith.index_cast %scan3A_158 : i32 to index
      %get3A_284 = arith.constant 112 : index
      %get3A_285 = tpu.vector_load %arg10[%get3A_283, %get3A_284] {strides = array<i32>} : memref<128x128xf32, #tpu.memory_space<vmem>>, vector<1x16xf32>,
      %get3A_286 = vector.shape_cast %get3A_285 : vector<1x16xf32> to vector<16xf32>
      %add3A_287 = arith.addf %mul3A_282, %get3A_286 : vector<16xf32>
      %swap3A_288 = arith.index_cast %scan3A_158 : i32 to index
      %swap3A_289 = arith.constant 112 : index
      %swap3A_290 = tpu.vector_load %arg12[%swap3A_288, %swap3A_289] {strides = array<i32>} : memref<128x128xf32, #tpu.memory_space<vmem>>, vector<1x16xf32>,
      %swap3A_291 = vector.shape_cast %swap3A_290 : vector<1x16xf32> to vector<16xf32>
      %swap3A_292 = vector.shape_cast %add3A_287 : vector<16xf32> to vector<1x16xf32>
      tpu.vector_store %arg12[%swap3A_288, %swap3A_289], %swap3A_292 {strides = array<i32>} : memref<128x128xf32, #tpu.memory_space<vmem>>, vector<1x16xf32>,
    }
    %scan3A_143 = arith.constant 128 : i32
    %add3A_144 = arith.constant 384 : i32
    %add3A_145 = arith.addi %mul3A_2, %add3A_144 : i32
    %dma_start3A_146 = arith.constant 0 : i32
    %dma_start3A_147 = tpu.memref_slice %arg5[%add3A_145, %dma_start3A_146] : memref<16384x128xf32, #tpu.memory_space<hbm>> -> memref<128x128xf32, #tpu.memory_space<hbm>>
    %dma_start3A_148 = arith.constant 0 : i32
    %dma_start3A_149 = tpu.memref_slice %arg5[%add3A_145, %dma_start3A_148] : memref<16384x128xf32, #tpu.memory_space<hbm>> -> memref<128x128xf32, #tpu.memory_space<hbm>>
    tpu.enqueue_dma source(%arg12 : memref<128x128xf32, #tpu.memory_space<vmem>>) target(%dma_start3A_149 : memref<128x128xf32, #tpu.memory_space<hbm>>) target_semaphore(%arg16 : memref<!tpu.dma_semaphore, #tpu.memory_space<semaphore_mem>>)
    %dma_wait3A_150 = arith.constant 0 : i32
    %dma_wait3A_151 = tpu.memref_slice %arg5[%add3A_118, %dma_wait3A_150] : memref<16384x128xf32, #tpu.memory_space<hbm>> -> memref<128x128xf32, #tpu.memory_space<hbm>>
    %dma_wait3A_152 = arith.constant 0 : i32
    %dma_wait3A_153 = tpu.memref_slice %arg5[%add3A_118, %dma_wait3A_152] : memref<16384x128xf32, #tpu.memory_space<hbm>> -> memref<128x128xf32, #tpu.memory_space<hbm>>
    tpu.wait_dma2 semaphore(%arg15 : memref<!tpu.dma_semaphore, #tpu.memory_space<semaphore_mem>>) src(%arg11 : memref<128x128xf32, #tpu.memory_space<vmem>>) dst(%dma_wait3A_153 : memref<128x128xf32, #tpu.memory_space<hbm>>)
    %dma_wait3A_154 = arith.constant 0 : i32
    %dma_wait3A_155 = tpu.memref_slice %arg5[%add3A_145, %dma_wait3A_154] : memref<16384x128xf32, #tpu.memory_space<hbm>> -> memref<128x128xf32, #tpu.memory_space<hbm>>
    %dma_wait3A_156 = arith.constant 0 : i32
    %dma_wait3A_157 = tpu.memref_slice %arg5[%add3A_145, %dma_wait3A_156] : memref<16384x128xf32, #tpu.memory_space<hbm>> -> memref<128x128xf32, #tpu.memory_space<hbm>>
    tpu.wait_dma2 semaphore(%arg16 : memref<!tpu.dma_semaphore, #tpu.memory_space<semaphore_mem>>) src(%arg12 : memref<128x128xf32, #tpu.memory_space<vmem>>) dst(%dma_wait3A_157 : memref<128x128xf32, #tpu.memory_space<hbm>>)
    return
  }
}

</mosaic_0001>

<sc_bundles>
// kernel: kernel.3.cloned.1.call-start
scs
__scs_entry_jumppad:
0x0: {  	(pc) =	sbr.rel $0x88, $3  }
0x1: {  	(tag) =	ssettag $0x0;
	lr =	simm.s32 $0x1  }
0x2: {  	[smem:$0x3F9E] =	sst lr;
	_ =	strace $0xD0000000  }
0x3: {  	_ = 	snop  }
0x4: {  	_ = 	snop  }
0x5: {  	_ = 	snop  }
0x6: {  	_ = 	snop  }
0x7: {  	_ = 	snop  }
__scs_overlays_trampoline_lowered:
0x8: {  	[smem:$0x3FAD] =	sst s0  }
0x9: {  	[smem:$0x3FAE] =	sst s1  }
0xa: {  	[smem:$0x3FAF] =	sst s2  }
0xb: {  	[smem:$0x3FB0] =	sst s3  }
0xc: {  	[smem:$0x3FB1] =	sst s4  }
0xd: {  	[smem:$0x3FB2] =	sst s5  }
0xe: {  	[smem:$0x3FB3] =	sst s6  }
0xf: {  	[smem:$0x3FB4] =	sst s7  }
0x10: {  	[smem:$0x3FB5] =	sst s8  }
0x11: {  	[smem:$0x3FB6] =	sst s9;
	s0 =	simm.s32 @!p0 $0x0  }
0x12: {  	s1 =	sld [smem:$0x3F9C];
	s0 =	simm.s32 @p0 $0x1  }
0x13: {  	[smem:$0x3FB7] =	sst s0;
	s0 =	simm.s32 @!p1 $0x0  }
0x14: {  	s2 =	sld [smem:$0x3F9B];
	s0 =	simm.s32 @p1 $0x1  }
0x15: {  	[smem:$0x3FB8] =	sst s0;
	s0 =	simm.s32 @!p2 $0x0  }
0x16: {  	s3 =	sld [smem:$0x3FDB];
	s0 =	simm.s32 @p2 $0x1  }
0x17: {  	s4 =	simm.s32 $0x1BF5;
	[smem:$0x3FBA] =	sst s0  }
0x18: {  	s0 =	sld [smem:$0x3F9D];
	_ =	swait.ge [sflag:s4], $0x0  }
0x19: {  	s7 =	sld [smem:$0x3F9E]  }
0x1a: {  	s8 =	sadd.s32 $0xFFFFE003, lr  }
0x1b: {  	s9 =	sadd.s32 $0xFFFFFEF7, lr;
	s5 =	simm.s32 $0xFFFFFFFF;
	p2 =	slt.u32 s8, $0xFFFFF086  }
0x1c: {  	p1 =	slt.u32 s9, $0xF7A;
	s5 =	simm.s32 @!p2 $0x0  }
0x1d: {  	s5 =	simm.s32 @p1 $0x1;
	p0 =	seq.s32 s7, s2  }
0x1e: {  	s7 =	smul.u32 @!p0 $0xF7A, s2;
	p2 =	seq.s32 @!p0 s5, $0x0  }
0x1f: {  	s9 =	smul.u32 $0xF7A, s1;
	s8 =	simm.s32 @!p0 $0x1BF5;
	p2 =	por !p2, p0  }
0x20: {  	[sflag:s8] =	ssyncset.s32 @!p0 $0xFFFFF086;
	s6 =	sadd.s32 @!p0 s3, s7;
	s7 =	simm.s32 @!p0 $0x108  }
0x21: {  	s3 =	sadd.s32 s3, s9;
	s6 =	sadd.s32 @!p0 $0x88, s6;
	s7 =	simm.s32 @p2 $0x1082  }
0x22: {  	[simem:s7], [sflag:s8] =	dma.local @!p0 [hbm:s6], $0xF7A  }
0x23: {  	s9 =	sor.u32 $0xD0000000, s2;
	s6 =	simm.s32 $0x108;
	_ =	swait.ge @!p0 [sflag:s8], $0x0  }
0x24: {  	s3 =	sadd.s32 $0x88, s3;
	s6 =	simm.s32 @!p1 $0x1082;
	[sflag:s4] =	ssyncset.s32 $0xFFFFF086  }
0x25: {  	[simem:s6], [sflag:s4] =	dma.local [hbm:s3], $0xF7A  }
0x26: {  	[smem:$0x3F9E] =	sst s1;
	(tag) =	ssettag s2;
	_ =	strace s9  }
0x27: {  	s1 =	sld [smem:$0x3FAE]  }
0x28: {  	s2 =	sld [smem:$0x3FAF]  }
0x29: {  	s4 =	sld [smem:$0x3FB1]  }
0x2a: {  	p0 =	seq.s32 s5, $0x0;
	s5 =	sld [smem:$0x3FB2]  }
0x2b: {  	s6 =	sld [smem:$0x3FB3]  }
0x2c: {  	s7 =	sld [smem:$0x3FB4]  }
0x2d: {  	s3 =	simm.s32 $0x108;
	s8 =	sld [smem:$0x3FB5]  }
0x2e: {  	s3 =	simm.s32 @!p0 $0x1082;
	s9 =	sld [smem:$0x3FB6]  }
0x2f: {  	lr =	sadd.s32 s0, s3;
	s0 =	sld [smem:$0x3FAD]  }
0x30: {  	s3 =	sld [smem:$0x3FB0]  }
0x31: {  	[smem:$0x3FB9] =	sst s10  }
0x32: {  	s10 =	sld [smem:$0x3FB7];
	_ =	sdelay $0x3  }
0x33: {  	p0 =	seq.s32 s10, $0x1;
	s10 =	sld [smem:$0x3FB9];
	_ =	sdelay $0x3  }
0x34: {  	[smem:$0x3FB9] =	sst s10  }
0x35: {  	s10 =	sld [smem:$0x3FB8];
	_ =	sdelay $0x3  }
0x36: {  	p1 =	seq.s32 s10, $0x1;
	s10 =	sld [smem:$0x3FB9];
	_ =	sdelay $0x3  }
0x37: {  	[smem:$0x3FB9] =	sst s10  }
0x38: {  	s10 =	sld [smem:$0x3FBA]  }
0x39: {  	_ = 	snop;
	(pc) =	sbr.ind lr, $3  }
0x3a: {  	_ = 	snop  }
0x3b: {  	_ = 	snop  }
0x3c: {  	p2 =	seq.s32 s10, $0x1;
	s10 =	sld [smem:$0x3FB9]  }
0x3d: {  	_ =	shalt  }
0x3e: {  	_ =	shalt  }
0x3f: {  	_ =	shalt  }
0x40: {  	_ =	shalt  }
0x41: {  	_ =	shalt  }
0x42: {  	_ =	shalt  }
0x43: {  	_ =	shalt  }
0x44: {  	_ =	shalt  }
0x45: {  	_ =	shalt  }
0x46: {  	_ =	shalt  }
0x47: {  	_ =	shalt  }
0x48: {  	_ =	shalt  }
0x49: {  	_ =	shalt  }
0x4a: {  	_ =	shalt  }
0x4b: {  	_ =	shalt  }
0x4c: {  	_ =	shalt  }
0x4d: {  	_ =	shalt  }
0x4e: {  	_ =	shalt  }
0x4f: {  	_ =	shalt  }
0x50: {  	_ =	shalt  }
0x51: {  	_ =	shalt  }
0x52: {  	_ =	shalt  }
0x53: {  	_ =	shalt  }
0x54: {  	_ =	shalt  }
0x55: {  	_ =	shalt  }
0x56: {  	_ =	shalt  }
0x57: {  	_ =	shalt  }
0x58: {  	_ =	shalt  }
0x59: {  	_ =	shalt  }
0x5a: {  	_ =	shalt  }
0x5b: {  	_ =	shalt  }
0x5c: {  	_ =	shalt  }
0x5d: {  	_ =	shalt  }
0x5e: {  	_ =	shalt  }
0x5f: {  	_ =	shalt  }
0x60: {  	_ =	shalt  }
0x61: {  	_ =	shalt  }
0x62: {  	_ =	shalt  }
0x63: {  	_ =	shalt  }
0x64: {  	_ =	shalt  }
0x65: {  	_ =	shalt  }
0x66: {  	_ =	shalt  }
0x67: {  	_ =	shalt  }
0x68: {  	_ =	shalt  }
0x69: {  	_ =	shalt  }
0x6a: {  	_ =	shalt  }
0x6b: {  	_ =	shalt  }
0x6c: {  	_ =	shalt  }
0x6d: {  	_ =	shalt  }
0x6e: {  	_ =	shalt  }
0x6f: {  	_ =	shalt  }
0x70: {  	_ =	shalt  }
0x71: {  	_ =	shalt  }
0x72: {  	_ =	shalt  }
0x73: {  	_ =	shalt  }
0x74: {  	_ =	shalt  }
0x75: {  	_ =	shalt  }
0x76: {  	_ =	shalt  }
0x77: {  	_ =	shalt  }
0x78: {  	_ =	shalt  }
0x79: {  	_ =	shalt  }
0x7a: {  	_ =	shalt  }
0x7b: {  	_ =	shalt  }
0x7c: {  	_ =	shalt  }
0x7d: {  	_ =	shalt  }
0x7e: {  	_ =	shalt  }
0x7f: {  	_ =	shalt  }
0x80: {  	_ =	shalt  }
0x81: {  	_ =	shalt  }
0x82: {  	_ =	shalt  }
0x83: {  	_ =	shalt  }
0x84: {  	_ =	shalt  }
0x85: {  	_ =	shalt  }
0x86: {  	_ =	shalt  }
0x87: {  	_ =	shalt  }
.Lfunc_end0:
.L_simem_size_0:
called_computation_lowered:
.L_overlay_start_0:
0x88: {  	s2 =	sld [smem:$0x3FD9]  }
0x89: {  	s3 =	sld [smem:$0x3FFE];
	_ =	sdelay $0x1  }
0x8a: {  	s1 =	srdreg.scid  }
0x8b: {  	s0 =	sand.u32 $0x1, s1  }
0x8c: {  	s18 =	sshll.u32 s0, $0xA;
	s2 =	sadd.s32 s3, s2  }
0x8d: {  	s2 =	sadd.s32 s2, s18  }
0x8e: {  	[smem:$0x3FC5] =	sst s2  }
0x8f: {  	_ = 	snop  }
0x90: {  	s2 =	sld [smem:$0x3FC9]  }
0x91: {  	s19 =	sld [smem:$0x3FC8]  }
0x92: {  	s4 =	sld [smem:$0x3FC7]  }
0x93: {  	s5 =	sld [smem:$0x3FD0];
	(tm) =	ssettm $0x1  }
0x94: {  	s6 =	sld [smem:$0x3FFB];
	_ =	sdelay $0x3  }
0x95: {  	_ =	strace s6  }
0x96: {  	s6 =	sld [smem:$0x3FFC];
	_ =	sdelay $0x3  }
0x97: {  	_ =	strace s6  }
0x98: {  	s6 =	sld [smem:$0x3FFD];
	_ =	sdelay $0x3  }
0x99: {  	_ =	strace s6  }
0x9a: {  	_ =	strace $0x8FFFFFFF  }
0x9b: {  	s20 =	sld [smem:$0x3FDB];
	_ =	sdelay $0x1  }
0x9c: {  	s7 =	simm.s32 $_scs_section_size  }
0x9d: {  	s8 =	simm.s32 $_size__tile_overlayer_lowered;
	s9 =	simm.s32 $_tile_overlayer_lowered  }
0x9e: {  	s23 =	simm.s32 $0x1BFF;
	s22 =	sshll.u32 s9, $0x1;
	s6 =	sadd.s32 s7, s20  }
0x9f: {  	s10 =	simm.s32 $0x0;
	s21 =	sshll.u32 s8, $0x1;
	s8 =	sadd.s32 s22, s6  }
0xa0: {  	[timem:s10], [sflag:s23] =	dma.local [hbm:s8], s21  }
0xa1: {  	_ =	swait.ge [sflag:s23], s21  }
0xa2: {  	s7 =	ssub.s32 $0x0, s21;
	[sflag:s23] =	ssyncset.done $0x0  }
0xa3: {  	[sflag:s23] =	ssyncadd.s32 s7;
	_ =	sdelay $0x1  }
0xa4: {  	s24 =	simm.s32 $0x1B8B  }
0xa5: {  	_ =	swait.ge [sflag:s24], $0x1  }
0xa6: {  	[sflag:s24] =	ssyncset.done $0x0  }
0xa7: {  	s25 =	simm.s32 $0x1B8E;
	[sflag:s24] =	ssyncadd.s32 $0xFFFFFFFF  }
0xa8: {  	s26 =	simm.s32 $execute0_lowered;
	[smem:$0x3FD2] =	sst s25  }
0xa9: {  	s7 =	sshll.u32 s26, $0x1;
	_ =	strace $0x80000046;
	[dreg:$0x1] =	wrdreg $0xFFFFFFFF  }
0xaa: {  	s28 =	simm.s32 $_size_execute0_lowered;
	s6 =	sadd.s32 s6, s7;
	[dreg:$0x0] =	wrdreg $0x0  }
0xab: {  	s7 =	sshll.u32 s28, $0x1;
	[dreg:$0x2] =	wrdreg s6  }
0xac: {  	[dreg:$0x3] =	wrdreg s7  }
0xad: {  	[dreg:$0x4] =	wrdreg $0xC0  }
0xae: {  	_ =	task [dreg:s10], $0x5FFFF  }
0xaf: {  	[dreg:$0x1] =	wrdreg $0xFFFFFFFF  }
0xb0: {  	[dreg:$0x0] =	wrdreg $0x60  }
0xb1: {  	[dreg:$0x2] =	wrdreg s2  }
0xb2: {  	[dreg:$0x3] =	wrdreg s19  }
0xb3: {  	[dreg:$0x4] =	wrdreg s4  }
0xb4: {  	[dreg:$0x5] =	wrdreg s5  }
0xb5: {  	[dreg:$0x6] =	wrdreg $0x9  }
0xb6: {  	_ =	task.clear_ibuf [dreg:s10], $0x7FFFF;
	_ =	strace $0x90000046  }
0xb7: {  	s29 =	simm.s32 $0x9;
	_ =	strace $0x80000048  }
0xb8: {  	_ =	swait.ge [sflag:s29], $0x1  }
0xb9: {  	[sflag:s29] =	ssyncadd.s32 $0xFFFFFFFF  }
0xba: {  	_ =	strace $0x90000048  }
0xbb: {  	_ =	sfence  }
0xbc: {  	s30 =	sld [smem:$0x0];
	_ =	sdelay $0x2  }
0xbd: {  	s31 =	sshll.u32 s1, $0xD;
	s1 =	sshrl.u32 s1, $0x2  }
0xbe: {  	s3 =	sand.u32 $0x4000, s31;
	s1 =	sadd.s32 s1, s30  }
0xbf: {  	s0 =	sor.u32 s3, s0;
	s1 =	sshll.u32 s1, $0x11  }
0xc0: {  	s0 =	sor.u32 s1, s0  }
0xc1: {  	s0 =	sadd.s32 $0x8F2B, s0  }
0xc2: {  	[sflag:s0] =	ssyncadd.remote.s32 $0x1  }
0xc3: {  	_ =	sfence.sel $0xFFFF  }
0xc4: {  	[dreg:$0x0] =	wrdreg $0xFFFFFFFF;
	(pc) =	sbr.abs _section_cstart, $3  }
0xc5: {  	[dreg:$0x1] =	wrdreg $0xFFFFFFFF  }
0xc6: {  	_ =	task.clear_ibuf [dreg:s10], $0x2FFFF;
	_ =	strace $0x9FFFFFFF  }
0xc7: {  	(tm) =	ssettm $0x7FFFFFFF  }
tec
execute0_lowered:
.L_overlay_start_1:
0x0: {  	(tag) =	ssettag $0x1  }
0x1: {  	s0 =	rddreg [dreg:$0x0]  }
0x2: {  	s6 =	rddreg [dreg:$0x1]  }
0x3: {  	s2 =	rddreg [dreg:$0x2]  }
0x4: {  	s12 =	rddreg [dreg:$0x3]  }
0x5: {  	s3 =	srdreg.scid;
	s1 =	stileid.u32;
	s15 =	simm.s32 $0x4200  }
0x6: {  	s16 =	simm.s32 $0x5;
	s17 =	simm.s32 $0x80;
	s18 =	simm.s32 $0x8200  }
0x7: {  	s19 =	simm.s32 $0xC200;
	s20 =	simm.s32 $0x1;
	s21 =	simm.s32 $0x10200  }
0x8: {  	s22 =	simm.s32 $0x100;
	s23 =	simm.s32 $0x2;
	s24 =	simm.s32 $0x14200  }
0x9: {  	s25 =	simm.s32 $0x180;
	s26 =	simm.s32 $0x3;
	s28 =	simm.s32 $0x4  }
0xa: {  	s29 =	simm.s32 $0x0;
	s4 =	sand.u32 $0x1, s3;
	s3 =	simm.s32 $0x0  }
0xb: {  	s5 =	sshll.u32 s1, $0xA;
	s7 =	sshll.u32 s4, $0x9;
	s4 =	ssub.s32 $0x2, s4  }
0xc: {  	[smem:$0x7FF] =	sst s3;
	s5 =	sor.u32 s7, s5;
	s30 =	sshrl.u32 s4, $0x1  }
0xd: {  	_ =	strace $0x80000047;
	s8 =	sshll.u32 s5, $0x4;
	s13 =	ssub.s32 s4, s30  }
0xe: {  	s31 =	sshrl.u32 s5, $0x3;
	s9 =	sor.u32 $0x800, s8;
	s4 =	sadd.s32 s0, s8  }
0xf: {  	s6 =	sadd.s32 s6, s31;
	s7 =	sadd.s32 s12, s8;
	s11 =	sor.u32 $0x1000, s8  }
0x10: {  	s14 =	sor.u32 $0x1800, s8;
	s13 =	smax.u32 s13, $0x1;
	s5 =	sadd.s32 s0, s9  }
0x11: {  	s8 =	sadd.s32 s0, s11;
	s9 =	sadd.s32 s12, s9;
	s10 =	sadd.s32 s0, s14  }
0x12: {  	s11 =	sadd.s32 s12, s11;
	s12 =	sadd.s32 s12, s14;
	s14 =	simm.s32 $0x200  }
.LBB2_1:
0x13: {  	[tilespmem:s14], [sflag:$0x1] =	stream.linear.gather [hbm4b:s4+s3], $0x4000, $0x38;
	[tilespmem:$0x18200] =	vst v63  }
0x14: {  	_ = 	snop  }
0x15: {  	[tilespmem:s15], [sflag:$0x2] =	stream.linear.gather [hbm4b:s5+s3], $0x4000, $0x38;
	[tilespmem:$0x18200] =	vst v63  }
0x16: {  	_ = 	snop  }
0x17: {  	[tilespmem:s3], [sflag:$0x5] =	stream.linear.gather [hbm4b:s6+s3], $0x200, $0x38;
	[tilespmem:$0x18200] =	vst v63  }
0x18: {  	_ =	swait.ge [sflag:s16], $0x200  }
0x19: {  	[sflag:s16] =	ssyncset.done $0x0  }
0x1a: {  	[sflag:s16] =	ssyncadd.s32 $0xFFFFFE00  }
0x1b: {  	[tilespmem:s18], [sflag:$0x1] =	stream.indirect.gather [hbm4b:s2+s17], $0x80, s3, s17, $0xb8;
	[tilespmem:$0x18200] =	vst v63  }
0x1c: {  	_ = 	snop  }
0x1d: {  	[tilespmem:s19], [sflag:$0x2] =	stream.indirect.gather [hbm4b:s2+s17], $0x80, s17, s17, $0xb8;
	[tilespmem:$0x18200] =	vst v63  }
0x1e: {  	_ =	swait.ge [sflag:s20], $0x4000  }
0x1f: {  	[sflag:s20] =	ssyncset.done $0x0  }
0x20: {  	[sflag:s20] =	ssyncadd.s32 $0xFFFFC000  }
0x21: {  	_ =	swait.ge [sflag:s20], $0x4000  }
0x22: {  	[sflag:s20] =	ssyncset.done $0x0  }
0x23: {  	s30 =	simm.s32 $0x0;
	[sflag:s20] =	ssyncadd.s32 $0xFFFFC000  }
0x24: {  	v0 =	vld [tilespmem:s30+$0x270]  }
0x25: {  	v1 =	vld [tilespmem:s30+$0x200]  }
0x26: {  	v2 =	vld [tilespmem:s30+$0x8270]  }
0x27: {  	v3 =	vld [tilespmem:s30+$0x210]  }
0x28: {  	v4 =	vld [tilespmem:s30+$0x220]  }
0x29: {  	v7 =	vld [tilespmem:s30+$0x230]  }
0x2a: {  	v9 =	vld [tilespmem:s30+$0x240]  }
0x2b: {  	v11 =	vld [tilespmem:s30+$0x250]  }
0x2c: {  	v12 =	vld [tilespmem:s30+$0x260];
	v0 =	vmul.f32 $1.131370830e+01, v0  }
0x2d: {  	v10 =	vld [tilespmem:s30+$0x8200]  }
0x2e: {  	v13 =	vld [tilespmem:s30+$0x8210];
	v0 =	vadd.f32 v2, v0  }
0x2f: {  	v8 =	vld [tilespmem:s30+$0x8220]  }
0x30: {  	v6 =	vld [tilespmem:s30+$0x8230];
	[tilespmem:s30+$0x10270] =	vst v0;
	v0 =	vmul.f32 $1.131370830e+01, v1  }
0x31: {  	v14 =	vmul.f32 $1.131370830e+01, v3;
	v5 =	vmul.f32 $1.131370830e+01, v4;
	v4 =	vld [tilespmem:s30+$0x8240]  }
0x32: {  	v3 =	vmul.f32 $1.131370830e+01, v7;
	v7 =	vld [tilespmem:s30+$0x8250];
	v2 =	vmul.f32 $1.131370830e+01, v9;
	v10 =	vadd.f32 v10, v0  }
0x33: {  	s31 =	simm.s32 $0x80;
	s0 =	simm.s32 $0x400;
	v9 =	vld [tilespmem:s30+$0x8260];
	v1 =	vmul.f32 $1.131370830e+01, v11;
	v11 =	vadd.f32 v13, v14;
	v0 =	vmul.f32 $1.131370830e+01, v12  }
.LBB2_2:
0x34: {  	p0 =	sne.s32 s0, $0xFE00;
	v12 =	vld [tilespmem:s31+$0x270];
	[tilespmem:s30+$0x10200] =	vst v10;
	v5 =	vadd.f32 v8, v5  }
0x35: {  	v8 =	vld [tilespmem:s31+$0x200];
	[tilespmem:s30+$0x10210] =	vst v11;
	v3 =	vadd.f32 v6, v3  }
0x36: {  	v6 =	vld [tilespmem:s31+$0x8270];
	[tilespmem:s30+$0x10220] =	vst v5;
	v2 =	vadd.f32 v4, v2  }
0x37: {  	v4 =	vld [tilespmem:s31+$0x210];
	[tilespmem:s30+$0x10230] =	vst v3;
	v1 =	vadd.f32 v7, v1  }
0x38: {  	v3 =	vld [tilespmem:s31+$0x220];
	[tilespmem:s30+$0x10240] =	vst v2;
	v0 =	vadd.f32 v9, v0  }
0x39: {  	v2 =	vld [tilespmem:s31+$0x230];
	v5 =	vmul.f32 $1.131370830e+01, v12;
	[tilespmem:s30+$0x10250] =	vst v1  }
0x3a: {  	v7 =	vmul.f32 $1.131370830e+01, v8;
	v1 =	vld [tilespmem:s31+$0x240];
	[tilespmem:s30+$0x10260] =	vst v0;
	s30 =	smov.u32 s31  }
0x3b: {  	v0 =	vld [tilespmem:s30+$0x250];
	v6 =	vadd.f32 v6, v5  }
0x3c: {  	v9 =	vmul.f32 $1.131370830e+01, v4;
	v10 =	vld [tilespmem:s30+$0x260]  }
0x3d: {  	v11 =	vld [tilespmem:s30+$0x8200];
	v5 =	vmul.f32 $1.131370830e+01, v3;
	[tilespmem:s30+$0x10270] =	vst v6  }
0x3e: {  	v12 =	vld [tilespmem:s30+$0x8210];
	v3 =	vmul.f32 $1.131370830e+01, v2  }
.Ltmp0:
0x3f: {  	v8 =	vld [tilespmem:s30+$0x8220];
	v2 =	vmul.f32 $1.131370830e+01, v1;
	(pc) =	sbr.rel @p0 .LBB2_2-.Ltmp0, $4  }
0x40: {  	v6 =	vld [tilespmem:s30+$0x8230];
	v1 =	vmul.f32 $1.131370830e+01, v0  }
0x41: {  	v4 =	vld [tilespmem:s30+$0x8240];
	v0 =	vmul.f32 $1.131370830e+01, v10  }
0x42: {  	v10 =	vadd.f32 v11, v7;
	v7 =	vld [tilespmem:s30+$0x8250]  }
0x43: {  	s31 =	sshra.s32 s0, $0x2;
	s0 =	sadd.s32 $0x200, s0;
	v11 =	vadd.f32 v12, v9;
	v9 =	vld [tilespmem:s30+$0x8260]  }
0x44: {  	v12 =	vld [tilespmem:s31+$0x270];
	[tilespmem:s30+$0x10200] =	vst v10;
	v5 =	vadd.f32 v8, v5  }
0x45: {  	v10 =	vld [tilespmem:s31+$0x200];
	[tilespmem:s30+$0x10210] =	vst v11;
	v3 =	vadd.f32 v6, v3  }
0x46: {  	v8 =	vld [tilespmem:s31+$0x8270];
	[tilespmem:s30+$0x10220] =	vst v5;
	v2 =	vadd.f32 v4, v2  }
0x47: {  	v5 =	vld [tilespmem:s31+$0x210];
	[tilespmem:s30+$0x10230] =	vst v3;
	v1 =	vadd.f32 v7, v1  }
0x48: {  	v3 =	vld [tilespmem:s31+$0x220];
	[tilespmem:s30+$0x10240] =	vst v2;
	v0 =	vadd.f32 v9, v0  }
0x49: {  	v2 =	vld [tilespmem:s31+$0x230];
	[tilespmem:s30+$0x10250] =	vst v1  }
0x4a: {  	v4 =	vmul.f32 $1.131370830e+01, v12;
	v1 =	vld [tilespmem:s31+$0x240];
	[tilespmem:s30+$0x10260] =	vst v0  }
0x4b: {  	v0 =	vld [tilespmem:s31+$0x250]  }
0x4c: {  	v4 =	vadd.f32 v8, v4;
	v7 =	vld [tilespmem:s31+$0x8200]  }
0x4d: {  	v8 =	vld [tilespmem:s31+$0x8220]  }
0x4e: {  	[tilespmem:s31+$0x10270] =	vst v4;
	v4 =	vld [tilespmem:s31+$0x8210]  }
0x4f: {  	v6 =	vld [tilespmem:s31+$0x260]  }
0x50: {  	v9 =	vmul.f32 $1.131370830e+01, v10;
	v10 =	vld [tilespmem:s31+$0x8230]  }
0x51: {  	v11 =	vld [tilespmem:s31+$0x8240];
	v5 =	vmul.f32 $1.131370830e+01, v5;
	v3 =	vmul.f32 $1.131370830e+01, v3  }
0x52: {  	v7 =	vadd.f32 v7, v9;
	v9 =	vld [tilespmem:s31+$0x8250]  }
0x53: {  	v2 =	vmul.f32 $1.131370830e+01, v2;
	v3 =	vadd.f32 v8, v3;
	v4 =	vadd.f32 v4, v5;
	v5 =	vld [tilespmem:s31+$0x8260]  }
0x54: {  	v1 =	vmul.f32 $1.131370830e+01, v1;
	[tilespmem:s31+$0x10200] =	vst v7  }
0x55: {  	v0 =	vmul.f32 $1.131370830e+01, v0;
	v2 =	vadd.f32 v10, v2;
	[tilespmem:s31+$0x10220] =	vst v3  }
0x56: {  	v1 =	vadd.f32 v11, v1;
	[tilespmem:s31+$0x10210] =	vst v4;
	v4 =	vmul.f32 $1.131370830e+01, v6  }
0x57: {  	[tilespmem:s31+$0x10230] =	vst v2;
	v0 =	vadd.f32 v9, v0  }
0x58: {  	[tilespmem:s31+$0x10240] =	vst v1;
	v1 =	vadd.f32 v5, v4  }
0x59: {  	[tilespmem:s31+$0x10250] =	vst v0  }
0x5a: {  	s0 =	simm.s32 $0x0;
	[tilespmem:s31+$0x10260] =	vst v1  }
0x5b: {  	[hbm4b:s7+s0] =	stream.linear.scatter [tilespmem:s21], [sflag:$0x3], $0x4000, $0x38;
	[tilespmem:$0x18200] =	vst v63  }
0x5c: {  	_ = 	snop  }
0x5d: {  	[tilespmem:s18], [sflag:$0x1] =	stream.indirect.gather [hbm4b:s2+s17], $0x80, s22, s17, $0xb8;
	[tilespmem:$0x18200] =	vst v63  }
0x5e: {  	_ = 	snop  }
0x5f: {  	[tilespmem:s14], [sflag:$0x1] =	stream.linear.gather [hbm4b:s8+s0], $0x4000, $0x38;
	[tilespmem:$0x18200] =	vst v63  }
0x60: {  	_ =	swait.ge [sflag:s23], $0x4000  }
0x61: {  	[sflag:s23] =	ssyncset.done $0x0  }
0x62: {  	[sflag:s23] =	ssyncadd.s32 $0xFFFFC000  }
0x63: {  	_ =	swait.ge [sflag:s23], $0x4000  }
0x64: {  	[sflag:s23] =	ssyncset.done $0x0  }
0x65: {  	s30 =	simm.s32 $0x0;
	[sflag:s23] =	ssyncadd.s32 $0xFFFFC000  }
0x66: {  	v0 =	vld [tilespmem:s30+$0x4270]  }
0x67: {  	v1 =	vld [tilespmem:s30+$0x4200]  }
0x68: {  	v2 =	vld [tilespmem:s30+$0xC270]  }
0x69: {  	v3 =	vld [tilespmem:s30+$0x4210]  }
0x6a: {  	v4 =	vld [tilespmem:s30+$0x4220]  }
0x6b: {  	v5 =	vld [tilespmem:s30+$0x4230]  }
0x6c: {  	v6 =	vld [tilespmem:s30+$0x4240]  }
0x6d: {  	v9 =	vld [tilespmem:s30+$0x4250]  }
0x6e: {  	v10 =	vld [tilespmem:s30+$0x4260]  }
0x6f: {  	v11 =	vld [tilespmem:s30+$0xC200]  }
0x70: {  	v63 =	vld [tilespmem:s30+$0xC210];
	v0 =	vmul.f32 $1.131370830e+01, v0  }
0x71: {  	v8 =	vld [tilespmem:s30+$0xC220]  }
0x72: {  	v7 =	vld [tilespmem:s30+$0xC230];
	v13 =	vmul.f32 $1.131370830e+01, v1;
	v14 =	vmul.f32 $1.131370830e+01, v3;
	v0 =	vadd.f32 v2, v0  }
0x73: {  	v4 =	vmul.f32 $1.131370830e+01, v4;
	v3 =	vmul.f32 $1.131370830e+01, v5;
	v5 =	vld [tilespmem:s30+$0xC240]  }
0x74: {  	v2 =	vmul.f32 $1.131370830e+01, v6;
	v6 =	vld [tilespmem:s30+$0xC250];
	[tilespmem:s30+$0x14270] =	vst v0;
	v0 =	vmul.f32 $1.131370830e+01, v10;
	v10 =	vadd.f32 v11, v13  }
0x75: {  	s31 =	simm.s32 $0x80;
	s0 =	simm.s32 $0x400;
	v1 =	vmul.f32 $1.131370830e+01, v9;
	v9 =	vld [tilespmem:s30+$0xC260];
	v11 =	vadd.f32 v63, v14  }
.LBB2_4:
0x76: {  	p0 =	sne.s32 s0, $0xFE00;
	v12 =	vld [tilespmem:s31+$0x4270];
	[tilespmem:s30+$0x14200] =	vst v10;
	v4 =	vadd.f32 v8, v4  }
0x77: {  	v8 =	vld [tilespmem:s31+$0x4200];
	[tilespmem:s30+$0x14210] =	vst v11;
	v3 =	vadd.f32 v7, v3  }
0x78: {  	v7 =	vld [tilespmem:s31+$0xC270];
	[tilespmem:s30+$0x14220] =	vst v4;
	v2 =	vadd.f32 v5, v2  }
0x79: {  	v4 =	vld [tilespmem:s31+$0x4210];
	[tilespmem:s30+$0x14230] =	vst v3;
	v1 =	vadd.f32 v6, v1  }
0x7a: {  	v3 =	vld [tilespmem:s31+$0x4220];
	[tilespmem:s30+$0x14240] =	vst v2;
	v0 =	vadd.f32 v9, v0  }
0x7b: {  	v2 =	vld [tilespmem:s31+$0x4230];
	v5 =	vmul.f32 $1.131370830e+01, v12;
	[tilespmem:s30+$0x14250] =	vst v1  }
0x7c: {  	v6 =	vmul.f32 $1.131370830e+01, v8;
	v1 =	vld [tilespmem:s31+$0x4240];
	[tilespmem:s30+$0x14260] =	vst v0;
	s30 =	smov.u32 s31  }
0x7d: {  	v0 =	vld [tilespmem:s30+$0x4250];
	v5 =	vadd.f32 v7, v5  }
0x7e: {  	v9 =	vmul.f32 $1.131370830e+01, v4;
	v10 =	vld [tilespmem:s30+$0x4260]  }
0x7f: {  	v11 =	vld [tilespmem:s30+$0xC200];
	v4 =	vmul.f32 $1.131370830e+01, v3;
	[tilespmem:s30+$0x14270] =	vst v5  }
0x80: {  	v12 =	vld [tilespmem:s30+$0xC210];
	v3 =	vmul.f32 $1.131370830e+01, v2  }
.Ltmp1:
0x81: {  	v8 =	vld [tilespmem:s30+$0xC220];
	v2 =	vmul.f32 $1.131370830e+01, v1;
	(pc) =	sbr.rel @p0 .LBB2_4-.Ltmp1, $4  }
0x82: {  	v7 =	vld [tilespmem:s30+$0xC230];
	v1 =	vmul.f32 $1.131370830e+01, v0  }
0x83: {  	v5 =	vld [tilespmem:s30+$0xC240];
	v0 =	vmul.f32 $1.131370830e+01, v10  }
0x84: {  	v10 =	vadd.f32 v11, v6;
	v6 =	vld [tilespmem:s30+$0xC250]  }
0x85: {  	s31 =	sshra.s32 s0, $0x2;
	s0 =	sadd.s32 $0x200, s0;
	v11 =	vadd.f32 v12, v9;
	v9 =	vld [tilespmem:s30+$0xC260]  }
0x86: {  	v12 =	vld [tilespmem:s31+$0x4270];
	[tilespmem:s30+$0x14200] =	vst v10;
	v4 =	vadd.f32 v8, v4  }
0x87: {  	v10 =	vld [tilespmem:s31+$0x4200];
	[tilespmem:s30+$0x14210] =	vst v11;
	v3 =	vadd.f32 v7, v3  }
0x88: {  	v8 =	vld [tilespmem:s31+$0xC270];
	[tilespmem:s30+$0x14220] =	vst v4;
	v2 =	vadd.f32 v5, v2  }
0x89: {  	v4 =	vld [tilespmem:s31+$0x4210];
	[tilespmem:s30+$0x14230] =	vst v3;
	v1 =	vadd.f32 v6, v1  }
0x8a: {  	v3 =	vld [tilespmem:s31+$0x4220];
	[tilespmem:s30+$0x14240] =	vst v2;
	v0 =	vadd.f32 v9, v0  }
0x8b: {  	v2 =	vld [tilespmem:s31+$0x4230];
	[tilespmem:s30+$0x14250] =	vst v1  }
0x8c: {  	v5 =	vmul.f32 $1.131370830e+01, v12;
	v1 =	vld [tilespmem:s31+$0x4240];
	[tilespmem:s30+$0x14260] =	vst v0  }
0x8d: {  	v0 =	vld [tilespmem:s31+$0x4250]  }
0x8e: {  	v5 =	vadd.f32 v8, v5;
	v7 =	vld [tilespmem:s31+$0xC200]  }
0x8f: {  	v8 =	vld [tilespmem:s31+$0xC220]  }
0x90: {  	[tilespmem:s31+$0x14270] =	vst v5;
	v5 =	vld [tilespmem:s31+$0xC210]  }
0x91: {  	v6 =	vld [tilespmem:s31+$0x4260]  }
0x92: {  	v9 =	vmul.f32 $1.131370830e+01, v10;
	v10 =	vld [tilespmem:s31+$0xC230]  }
0x93: {  	v11 =	vld [tilespmem:s31+$0xC240];
	v4 =	vmul.f32 $1.131370830e+01, v4;
	v3 =	vmul.f32 $1.131370830e+01, v3  }
0x94: {  	v7 =	vadd.f32 v7, v9;
	v9 =	vld [tilespmem:s31+$0xC250]  }
0x95: {  	v2 =	vmul.f32 $1.131370830e+01, v2;
	v3 =	vadd.f32 v8, v3;
	v4 =	vadd.f32 v5, v4;
	v5 =	vld [tilespmem:s31+$0xC260]  }
0x96: {  	v1 =	vmul.f32 $1.131370830e+01, v1;
	[tilespmem:s31+$0x14200] =	vst v7  }
0x97: {  	v0 =	vmul.f32 $1.131370830e+01, v0;
	v2 =	vadd.f32 v10, v2;
	[tilespmem:s31+$0x14220] =	vst v3  }
0x98: {  	v1 =	vadd.f32 v11, v1;
	[tilespmem:s31+$0x14210] =	vst v4;
	v4 =	vmul.f32 $1.131370830e+01, v6  }
0x99: {  	[tilespmem:s31+$0x14230] =	vst v2;
	v0 =	vadd.f32 v9, v0  }
0x9a: {  	[tilespmem:s31+$0x14240] =	vst v1;
	v1 =	vadd.f32 v5, v4  }
0x9b: {  	[tilespmem:s31+$0x14250] =	vst v0  }
0x9c: {  	s0 =	simm.s32 $0x0;
	[tilespmem:s31+$0x14260] =	vst v1  }
0x9d: {  	[hbm4b:s9+s0] =	stream.linear.scatter [tilespmem:s24], [sflag:$0x4], $0x4000, $0x38;
	[tilespmem:$0x18200] =	vst v63  }
0x9e: {  	_ = 	snop  }
0x9f: {  	[tilespmem:s19], [sflag:$0x2] =	stream.indirect.gather [hbm4b:s2+s17], $0x80, s25, s17, $0xb8;
	[tilespmem:$0x18200] =	vst v63  }
0xa0: {  	_ = 	snop  }
0xa1: {  	[tilespmem:s15], [sflag:$0x2] =	stream.linear.gather [hbm4b:s10+s0], $0x4000, $0x38;
	[tilespmem:$0x18200] =	vst v63  }
0xa2: {  	_ =	swait.ge [sflag:s20], $0x4000  }
0xa3: {  	[sflag:s20] =	ssyncset.done $0x0  }
0xa4: {  	[sflag:s20] =	ssyncadd.s32 $0xFFFFC000  }
0xa5: {  	_ =	swait.ge [sflag:s20], $0x4000  }
0xa6: {  	[sflag:s20] =	ssyncset.done $0x0  }
0xa7: {  	[sflag:s20] =	ssyncadd.s32 $0xFFFFC000  }
0xa8: {  	_ =	swait.ge [sflag:s26], $0x4000  }
0xa9: {  	[sflag:s26] =	ssyncset.done $0x0  }
0xaa: {  	s30 =	simm.s32 $0x0;
	[sflag:s26] =	ssyncadd.s32 $0xFFFFC000  }
0xab: {  	v0 =	vld [tilespmem:s30+$0x270]  }
0xac: {  	v1 =	vld [tilespmem:s30+$0x200]  }
0xad: {  	v2 =	vld [tilespmem:s30+$0x8270]  }
0xae: {  	v3 =	vld [tilespmem:s30+$0x210]  }
0xaf: {  	v4 =	vld [tilespmem:s30+$0x220]  }
0xb0: {  	v5 =	vld [tilespmem:s30+$0x230]  }
0xb1: {  	v6 =	vld [tilespmem:s30+$0x240]  }
0xb2: {  	v9 =	vld [tilespmem:s30+$0x250]  }
0xb3: {  	v10 =	vld [tilespmem:s30+$0x260]  }
0xb4: {  	v11 =	vld [tilespmem:s30+$0x8200]  }
0xb5: {  	v63 =	vld [tilespmem:s30+$0x8210];
	v0 =	vmul.f32 $1.131370830e+01, v0  }
0xb6: {  	v8 =	vld [tilespmem:s30+$0x8220]  }
0xb7: {  	v7 =	vld [tilespmem:s30+$0x8230];
	v13 =	vmul.f32 $1.131370830e+01, v1;
	v14 =	vmul.f32 $1.131370830e+01, v3;
	v0 =	vadd.f32 v2, v0  }
0xb8: {  	v4 =	vmul.f32 $1.131370830e+01, v4;
	v3 =	vmul.f32 $1.131370830e+01, v5;
	v5 =	vld [tilespmem:s30+$0x8240]  }
0xb9: {  	v2 =	vmul.f32 $1.131370830e+01, v6;
	v6 =	vld [tilespmem:s30+$0x8250];
	[tilespmem:s30+$0x10270] =	vst v0;
	v0 =	vmul.f32 $1.131370830e+01, v10;
	v10 =	vadd.f32 v11, v13  }
0xba: {  	s31 =	simm.s32 $0x80;
	s0 =	simm.s32 $0x400;
	v1 =	vmul.f32 $1.131370830e+01, v9;
	v9 =	vld [tilespmem:s30+$0x8260];
	v11 =	vadd.f32 v63, v14  }
.LBB2_6:
0xbb: {  	p0 =	sne.s32 s0, $0xFE00;
	v12 =	vld [tilespmem:s31+$0x270];
	[tilespmem:s30+$0x10200] =	vst v10;
	v4 =	vadd.f32 v8, v4  }
0xbc: {  	v8 =	vld [tilespmem:s31+$0x200];
	[tilespmem:s30+$0x10210] =	vst v11;
	v3 =	vadd.f32 v7, v3  }
0xbd: {  	v7 =	vld [tilespmem:s31+$0x8270];
	[tilespmem:s30+$0x10220] =	vst v4;
	v2 =	vadd.f32 v5, v2  }
0xbe: {  	v4 =	vld [tilespmem:s31+$0x210];
	[tilespmem:s30+$0x10230] =	vst v3;
	v1 =	vadd.f32 v6, v1  }
0xbf: {  	v3 =	vld [tilespmem:s31+$0x220];
	[tilespmem:s30+$0x10240] =	vst v2;
	v0 =	vadd.f32 v9, v0  }
0xc0: {  	v2 =	vld [tilespmem:s31+$0x230];
	v5 =	vmul.f32 $1.131370830e+01, v12;
	[tilespmem:s30+$0x10250] =	vst v1  }
0xc1: {  	v6 =	vmul.f32 $1.131370830e+01, v8;
	v1 =	vld [tilespmem:s31+$0x240];
	[tilespmem:s30+$0x10260] =	vst v0;
	s30 =	smov.u32 s31  }
0xc2: {  	v0 =	vld [tilespmem:s30+$0x250];
	v5 =	vadd.f32 v7, v5  }
0xc3: {  	v9 =	vmul.f32 $1.131370830e+01, v4;
	v10 =	vld [tilespmem:s30+$0x260]  }
0xc4: {  	v11 =	vld [tilespmem:s30+$0x8200];
	v4 =	vmul.f32 $1.131370830e+01, v3;
	[tilespmem:s30+$0x10270] =	vst v5  }
0xc5: {  	v12 =	vld [tilespmem:s30+$0x8210];
	v3 =	vmul.f32 $1.131370830e+01, v2  }
.Ltmp2:
0xc6: {  	v8 =	vld [tilespmem:s30+$0x8220];
	v2 =	vmul.f32 $1.131370830e+01, v1;
	(pc) =	sbr.rel @p0 .LBB2_6-.Ltmp2, $4  }
0xc7: {  	v7 =	vld [tilespmem:s30+$0x8230];
	v1 =	vmul.f32 $1.131370830e+01, v0  }
0xc8: {  	v5 =	vld [tilespmem:s30+$0x8240];
	v0 =	vmul.f32 $1.131370830e+01, v10  }
0xc9: {  	v10 =	vadd.f32 v11, v6;
	v6 =	vld [tilespmem:s30+$0x8250]  }
0xca: {  	s31 =	sshra.s32 s0, $0x2;
	s0 =	sadd.s32 $0x200, s0;
	v11 =	vadd.f32 v12, v9;
	v9 =	vld [tilespmem:s30+$0x8260]  }
0xcb: {  	v12 =	vld [tilespmem:s31+$0x270];
	[tilespmem:s30+$0x10200] =	vst v10;
	v4 =	vadd.f32 v8, v4  }
0xcc: {  	v10 =	vld [tilespmem:s31+$0x200];
	[tilespmem:s30+$0x10210] =	vst v11;
	v3 =	vadd.f32 v7, v3  }
0xcd: {  	v8 =	vld [tilespmem:s31+$0x8270];
	[tilespmem:s30+$0x10220] =	vst v4;
	v2 =	vadd.f32 v5, v2  }
0xce: {  	v4 =	vld [tilespmem:s31+$0x210];
	[tilespmem:s30+$0x10230] =	vst v3;
	v1 =	vadd.f32 v6, v1  }
0xcf: {  	v3 =	vld [tilespmem:s31+$0x220];
	[tilespmem:s30+$0x10240] =	vst v2;
	v0 =	vadd.f32 v9, v0  }
0xd0: {  	v2 =	vld [tilespmem:s31+$0x230];
	[tilespmem:s30+$0x10250] =	vst v1  }
0xd1: {  	v5 =	vmul.f32 $1.131370830e+01, v12;
	v1 =	vld [tilespmem:s31+$0x240];
	[tilespmem:s30+$0x10260] =	vst v0  }
0xd2: {  	v0 =	vld [tilespmem:s31+$0x250]  }
0xd3: {  	v5 =	vadd.f32 v8, v5;
	v7 =	vld [tilespmem:s31+$0x8200]  }
0xd4: {  	v8 =	vld [tilespmem:s31+$0x8220]  }
0xd5: {  	[tilespmem:s31+$0x10270] =	vst v5;
	v5 =	vld [tilespmem:s31+$0x8210]  }
0xd6: {  	v6 =	vld [tilespmem:s31+$0x260]  }
0xd7: {  	v9 =	vmul.f32 $1.131370830e+01, v10;
	v10 =	vld [tilespmem:s31+$0x8230]  }
0xd8: {  	v11 =	vld [tilespmem:s31+$0x8240];
	v4 =	vmul.f32 $1.131370830e+01, v4;
	v3 =	vmul.f32 $1.131370830e+01, v3  }
0xd9: {  	v7 =	vadd.f32 v7, v9;
	v9 =	vld [tilespmem:s31+$0x8250]  }
0xda: {  	v2 =	vmul.f32 $1.131370830e+01, v2;
	v3 =	vadd.f32 v8, v3;
	v4 =	vadd.f32 v5, v4;
	v5 =	vld [tilespmem:s31+$0x8260]  }
0xdb: {  	v1 =	vmul.f32 $1.131370830e+01, v1;
	[tilespmem:s31+$0x10200] =	vst v7  }
0xdc: {  	v0 =	vmul.f32 $1.131370830e+01, v0;
	v2 =	vadd.f32 v10, v2;
	[tilespmem:s31+$0x10220] =	vst v3  }
0xdd: {  	v1 =	vadd.f32 v11, v1;
	[tilespmem:s31+$0x10210] =	vst v4;
	v4 =	vmul.f32 $1.131370830e+01, v6  }
0xde: {  	[tilespmem:s31+$0x10230] =	vst v2;
	v0 =	vadd.f32 v9, v0  }
0xdf: {  	[tilespmem:s31+$0x10240] =	vst v1;
	v1 =	vadd.f32 v5, v4  }
0xe0: {  	[tilespmem:s31+$0x10250] =	vst v0  }
0xe1: {  	s0 =	simm.s32 $0x0;
	[tilespmem:s31+$0x10260] =	vst v1  }
0xe2: {  	[hbm4b:s11+s0] =	stream.linear.scatter [tilespmem:s21], [sflag:$0x3], $0x4000, $0x38;
	[tilespmem:$0x18200] =	vst v63  }
0xe3: {  	_ =	swait.ge [sflag:s23], $0x4000  }
0xe4: {  	[sflag:s23] =	ssyncset.done $0x0  }
0xe5: {  	[sflag:s23] =	ssyncadd.s32 $0xFFFFC000  }
0xe6: {  	_ =	swait.ge [sflag:s23], $0x4000  }
0xe7: {  	[sflag:s23] =	ssyncset.done $0x0  }
0xe8: {  	[sflag:s23] =	ssyncadd.s32 $0xFFFFC000  }
0xe9: {  	_ =	swait.ge [sflag:s28], $0x4000  }
0xea: {  	[sflag:s28] =	ssyncset.done $0x0  }
0xeb: {  	s30 =	simm.s32 $0x0;
	[sflag:s28] =	ssyncadd.s32 $0xFFFFC000  }
0xec: {  	v0 =	vld [tilespmem:s30+$0x4270]  }
0xed: {  	v1 =	vld [tilespmem:s30+$0x4200]  }
0xee: {  	v2 =	vld [tilespmem:s30+$0xC270]  }
0xef: {  	v3 =	vld [tilespmem:s30+$0x4210]  }
0xf0: {  	v4 =	vld [tilespmem:s30+$0x4220]  }
0xf1: {  	v5 =	vld [tilespmem:s30+$0x4230]  }
0xf2: {  	v6 =	vld [tilespmem:s30+$0x4240]  }
0xf3: {  	v9 =	vld [tilespmem:s30+$0x4250]  }
0xf4: {  	v10 =	vld [tilespmem:s30+$0x4260]  }
0xf5: {  	v11 =	vld [tilespmem:s30+$0xC200]  }
0xf6: {  	v63 =	vld [tilespmem:s30+$0xC210];
	v0 =	vmul.f32 $1.131370830e+01, v0  }
0xf7: {  	v8 =	vld [tilespmem:s30+$0xC220]  }
0xf8: {  	v7 =	vld [tilespmem:s30+$0xC230];
	v13 =	vmul.f32 $1.131370830e+01, v1;
	v14 =	vmul.f32 $1.131370830e+01, v3;
	v0 =	vadd.f32 v2, v0  }
0xf9: {  	v4 =	vmul.f32 $1.131370830e+01, v4;
	v3 =	vmul.f32 $1.131370830e+01, v5;
	v5 =	vld [tilespmem:s30+$0xC240]  }
0xfa: {  	v2 =	vmul.f32 $1.131370830e+01, v6;
	v6 =	vld [tilespmem:s30+$0xC250];
	[tilespmem:s30+$0x14270] =	vst v0;
	v0 =	vmul.f32 $1.131370830e+01, v10;
	v10 =	vadd.f32 v11, v13  }
0xfb: {  	s31 =	simm.s32 $0x80;
	s0 =	simm.s32 $0x400;
	v1 =	vmul.f32 $1.131370830e+01, v9;
	v9 =	vld [tilespmem:s30+$0xC260];
	v11 =	vadd.f32 v63, v14  }
.LBB2_8:
0xfc: {  	p0 =	sne.s32 s0, $0xFE00;
	v12 =	vld [tilespmem:s31+$0x4270];
	[tilespmem:s30+$0x14200] =	vst v10;
	v4 =	vadd.f32 v8, v4  }
0xfd: {  	v8 =	vld [tilespmem:s31+$0x4200];
	[tilespmem:s30+$0x14210] =	vst v11;
	v3 =	vadd.f32 v7, v3  }
0xfe: {  	v7 =	vld [tilespmem:s31+$0xC270];
	[tilespmem:s30+$0x14220] =	vst v4;
	v2 =	vadd.f32 v5, v2  }
0xff: {  	v4 =	vld [tilespmem:s31+$0x4210];
	[tilespmem:s30+$0x14230] =	vst v3;
	v1 =	vadd.f32 v6, v1  }
0x100: {  	v3 =	vld [tilespmem:s31+$0x4220];
	[tilespmem:s30+$0x14240] =	vst v2;
	v0 =	vadd.f32 v9, v0  }
0x101: {  	v2 =	vld [tilespmem:s31+$0x4230];
	v5 =	vmul.f32 $1.131370830e+01, v12;
	[tilespmem:s30+$0x14250] =	vst v1  }
0x102: {  	v6 =	vmul.f32 $1.131370830e+01, v8;
	v1 =	vld [tilespmem:s31+$0x4240];
	[tilespmem:s30+$0x14260] =	vst v0;
	s30 =	smov.u32 s31  }
0x103: {  	v0 =	vld [tilespmem:s30+$0x4250];
	v5 =	vadd.f32 v7, v5  }
0x104: {  	v9 =	vmul.f32 $1.131370830e+01, v4;
	v10 =	vld [tilespmem:s30+$0x4260]  }
0x105: {  	v11 =	vld [tilespmem:s30+$0xC200];
	v4 =	vmul.f32 $1.131370830e+01, v3;
	[tilespmem:s30+$0x14270] =	vst v5  }
0x106: {  	v12 =	vld [tilespmem:s30+$0xC210];
	v3 =	vmul.f32 $1.131370830e+01, v2  }
.Ltmp3:
0x107: {  	v8 =	vld [tilespmem:s30+$0xC220];
	v2 =	vmul.f32 $1.131370830e+01, v1;
	(pc) =	sbr.rel @p0 .LBB2_8-.Ltmp3, $4  }
0x108: {  	v7 =	vld [tilespmem:s30+$0xC230];
	v1 =	vmul.f32 $1.131370830e+01, v0  }
0x109: {  	v5 =	vld [tilespmem:s30+$0xC240];
	v0 =	vmul.f32 $1.131370830e+01, v10  }
0x10a: {  	v10 =	vadd.f32 v11, v6;
	v6 =	vld [tilespmem:s30+$0xC250]  }
0x10b: {  	s31 =	sshra.s32 s0, $0x2;
	s0 =	sadd.s32 $0x200, s0;
	v11 =	vadd.f32 v12, v9;
	v9 =	vld [tilespmem:s30+$0xC260]  }
0x10c: {  	v12 =	vld [tilespmem:s31+$0x4270];
	[tilespmem:s30+$0x14200] =	vst v10;
	v4 =	vadd.f32 v8, v4  }
0x10d: {  	v10 =	vld [tilespmem:s31+$0x4200];
	[tilespmem:s30+$0x14210] =	vst v11;
	v3 =	vadd.f32 v7, v3  }
0x10e: {  	v52 =	vld [tilespmem:s31+$0xC270];
	[tilespmem:s30+$0x14220] =	vst v4;
	v2 =	vadd.f32 v5, v2  }
0x10f: {  	v4 =	vld [tilespmem:s31+$0x4210];
	[tilespmem:s30+$0x14230] =	vst v3;
	v1 =	vadd.f32 v6, v1  }
0x110: {  	v3 =	vld [tilespmem:s31+$0x4220];
	[tilespmem:s30+$0x14240] =	vst v2;
	v0 =	vadd.f32 v9, v0  }
0x111: {  	v2 =	vld [tilespmem:s31+$0x4230];
	[tilespmem:s30+$0x14250] =	vst v1  }
0x112: {  	v1 =	vld [tilespmem:s31+$0x4240];
	[tilespmem:s30+$0x14260] =	vst v0  }
0x113: {  	v0 =	vld [tilespmem:s31+$0x4250]  }
0x114: {  	v54 =	vld [tilespmem:s31+$0x4260]  }
0x115: {  	v55 =	vld [tilespmem:s31+$0xC200]  }
0x116: {  	v56 =	vld [tilespmem:s31+$0xC210]  }
0x117: {  	v53 =	vmul.f32 $1.131370830e+01, v12;
	v57 =	vld [tilespmem:s31+$0xC220]  }
0x118: {  	v58 =	vmul.f32 $1.131370830e+01, v10;
	v59 =	vld [tilespmem:s31+$0xC230]  }
0x119: {  	v5 =	vadd.f32 v52, v53;
	v11 =	vld [tilespmem:s31+$0xC240];
	v4 =	vmul.f32 $1.131370830e+01, v4  }
0x11a: {  	v60 =	vld [tilespmem:s31+$0xC250];
	v3 =	vmul.f32 $1.131370830e+01, v3;
	v7 =	vadd.f32 v55, v58  }
0x11b: {  	v61 =	vld [tilespmem:s31+$0xC260];
	[tilespmem:s31+$0x14270] =	vst v5;
	v2 =	vmul.f32 $1.131370830e+01, v2;
	v4 =	vadd.f32 v56, v4  }
0x11c: {  	v1 =	vmul.f32 $1.131370830e+01, v1;
	v3 =	vadd.f32 v57, v3;
	[tilespmem:s31+$0x14200] =	vst v7  }
0x11d: {  	v0 =	vmul.f32 $1.131370830e+01, v0;
	v2 =	vadd.f32 v59, v2;
	[tilespmem:s31+$0x14210] =	vst v4  }
0x11e: {  	v62 =	vmul.f32 $1.131370830e+01, v54;
	v1 =	vadd.f32 v11, v1;
	[tilespmem:s31+$0x14220] =	vst v3  }
0x11f: {  	[tilespmem:s31+$0x14230] =	vst v2;
	v0 =	vadd.f32 v60, v0  }
0x120: {  	v63 =	vadd.f32 v61, v62;
	[tilespmem:s31+$0x14240] =	vst v1  }
0x121: {  	[tilespmem:s31+$0x14250] =	vst v0  }
0x122: {  	s29 =	sadd.s32 $0x1, s29;
	[tilespmem:s31+$0x14260] =	vst v63  }
0x123: {  	[hbm4b:s12+s3] =	stream.linear.scatter [tilespmem:s24], [sflag:$0x4], $0x4000, $0x38;
	[tilespmem:$0x18200] =	vst v63  }
0x124: {  	p0 =	sne.s32 s29, s13;
	_ =	swait.ge [sflag:s26], $0x4000  }
.Ltmp4:
0x125: {  	[sflag:s26] =	ssyncset.done $0x0;
	(pc) =	sbr.rel @p0 .LBB2_1-.Ltmp4, $4  }
0x126: {  	[sflag:s26] =	ssyncadd.s32 $0xFFFFC000  }
0x127: {  	_ =	swait.ge [sflag:s28], $0x4000  }
0x128: {  	[sflag:s28] =	ssyncset.done $0x0  }
0x129: {  	[sflag:s28] =	ssyncadd.s32 $0xFFFFC000  }
0x12a: {  	_ =	sfence.sel $0x180000  }
0x12b: {  	[bflag:$0x0] =	sbarrier.arrive $0xFFFF  }
0x12c: {  	_ =	strace $0x90000047  }
0x12d: {  	[bflag:$0x2] =	sbarrier.arrive $0xFFFF  }
0x12e: {  	p0 =	sne.s32 s1, $0x0;
	s0 =	rddreg [dreg:$0x4]  }
0x12f: {  	s0 =	sadd.s32 @!p0 $0x100000, s0  }
0x130: {  	[sflag:s0] =	ssyncadd.tile.s32 @!p0 $0x1;
	_ =	shalt  }
.Lfunc_end2:
_tile_overlayer_lowered:
.L_overlay_start_2:
0x131: {  	(tag) =	ssettag $0x2  }
0x132: {  	s0 =	rddreg [dreg:$0x0];
	s2 =	stileid.u32  }
0x133: {  	s1 =	rddreg [dreg:$0x1];
	p0 =	sne.s32 s2, $0x0  }
0x134: {  	s3 =	rddreg [dreg:$0x2];
	[bflag:$0x3] =	sbarrier.arrive $0xFFFF;
	s2 =	simm.s32 @!p0 $0x1C05  }
0x135: {  	[timem:s3], [sflag:s2] =	dma.local @!p0 [hbm:s0], s1  }
0x136: {  	s0 =	simm.s32 @!p0 $0x5  }
0x137: {  	_ =	swait.ge @!p0 [sflag:s0], s1  }
0x138: {  	s1 =	ssub.s32 @!p0 $0x0, s1;
	[sflag:s0] =	ssyncset.done @!p0 $0x0  }
0x139: {  	[sflag:s0] =	ssyncadd.s32 @!p0 s1  }
0x13a: {  	[bflag:$0x3] =	sbarrier.arrive $0xFFFF  }
0x13b: {  	_ =	shalt  }

</sc_bundles>
